<compile_context>
chip_gen: v7x
topology: tpu7x:2x2x1
jax: 0.10.2.dev20260603
libtpu: 0.0.44.dev20260713+nightly
codegen_flags: <defaults>
</compile_context>

<pallas_src>
import functools

import jax
import jax.numpy as jnp
from jax import lax
from jax.experimental import pallas as pl
from jax.experimental.pallas import tpu as pltpu
from jax.experimental.pallas import tpu_sc as plsc

B, L, F, A = 1024, 50, 1024, 64
BT = 32
BTC = 896
BSC = B - BTC
NW = 32
SCB = BSC // NW
NIDX = L * A
NCH = NIDX // 128
ROW = L * F



def _tc_body(x_ref, nk_ref, o_ref, *, stride):
    blk = x_ref.shape
    G = blk[2]
    J = 128 // stride
    s = jnp.sum(x_ref[...], axis=1)
    s2 = s.reshape(blk[0] * G, 128)
    row = lax.broadcasted_iota(jnp.int32, (128, J), 0)
    col = lax.broadcasted_iota(jnp.int32, (128, J), 1)
    sel = jnp.where(row == col * stride, 1.0, 0.0)
    p = jnp.dot(s2, sel, preferred_element_type=jnp.float32)
    o_ref[...] = p.reshape(blk[0], G, J) * nk_ref[...]


def _tc_part(inputs, kern):
    stride = F // A
    G = F // 128
    J = 128 // stride
    x = inputs.reshape(B, L, G, 128)
    nk = -kern.reshape(1, G, J)
    body = functools.partial(_tc_body, stride=stride)
    out = pl.pallas_call(
        body,
        grid=(BTC // BT,),
        in_specs=[
            pl.BlockSpec((BT, L, G, 128), lambda i: (i, 0, 0, 0)),
            pl.BlockSpec((1, G, J), lambda i: (0, 0, 0)),
        ],
        out_specs=pl.BlockSpec((BT, G, J), lambda i: (i, 0, 0)),
        out_shape=jax.ShapeDtypeStruct((BTC, G, J), jnp.float32),
    )(x, nk)
    return out.reshape(BTC, A, 1)



def _fire(x_hbm, idx_v, gbuf, sem, b):
    def go(j, c):
        src = x_hbm.at[pl.ds(b * ROW, ROW)].at[idx_v.at[pl.ds(j * 128, 128)]]
        pltpu.async_copy(src, gbuf.at[pl.ds(j * 128, 128)], sem)
        return c
    lax.fori_loop(0, NCH, go, 0)


def _drain(x_hbm, idx_v, gbuf, sem):
    def go(j, c):
        src = x_hbm.at[pl.ds(0, ROW)].at[idx_v.at[pl.ds(0, 128)]]
        pltpu.make_async_copy(src, gbuf.at[pl.ds(0, 128)], sem).wait()
        return c
    lax.fori_loop(0, NCH, go, 0)


def _reduce(gbuf, k_v, out_v, bl):
    for c in range(4):
        negk = -k_v[pl.ds(c * 16, 16)]
        def go(l, acc):
            return acc + gbuf[pl.ds(l * A + c * 16, 16)]
        acc = lax.fori_loop(0, L, go, jnp.zeros((16,), jnp.float32))
        out_v[pl.ds(bl * A + c * 16, 16)] = acc * negk


def _sc_body(x_hbm, k_hbm, o_hbm, idx_v, g0, g1, k_v, out_v, sem0, sem1):
    wid = lax.axis_index("s") * 2 + lax.axis_index("c")
    base = BTC + wid * SCB
    pltpu.sync_copy(k_hbm, k_v)
    it16 = lax.iota(jnp.int32, 16) * (F // A)
    def build(n, c):
        l = n // 4
        ch = n % 4
        idx_v[pl.ds(n * 16, 16)] = it16 + (l * F + ch * 256)
        return c
    lax.fori_loop(0, NIDX // 16, build, 0)

    _fire(x_hbm, idx_v, g0, sem0, base)

    def outer(i, c):
        bl0 = 2 * i
        bl1 = 2 * i + 1
        _fire(x_hbm, idx_v, g1, sem1, base + bl1)
        _drain(x_hbm, idx_v, g0, sem0)
        _reduce(g0, k_v, out_v, bl0)
        @pl.when(i < SCB // 2 - 1)
        def _():
            _fire(x_hbm, idx_v, g0, sem0, base + bl0 + 2)
        _drain(x_hbm, idx_v, g1, sem1)
        _reduce(g1, k_v, out_v, bl1)
        return c
    lax.fori_loop(0, SCB // 2, outer, 0)

    pltpu.sync_copy(out_v, o_hbm.at[pl.ds(wid * SCB * A, SCB * A)])


def _sc_part(inputs, kern):
    x1 = inputs.reshape(B * L * F)
    k1 = kern.reshape(A)
    mesh = plsc.VectorSubcoreMesh(core_axis_name="c", subcore_axis_name="s")
    sc = pl.kernel(
        _sc_body,
        mesh=mesh,
        out_type=jax.ShapeDtypeStruct((BSC * A,), jnp.float32),
        scratch_types=[
            pltpu.VMEM((NIDX,), jnp.int32),
            pltpu.VMEM((NIDX,), jnp.float32),
            pltpu.VMEM((NIDX,), jnp.float32),
            pltpu.VMEM((A,), jnp.float32),
            pltpu.VMEM((SCB * A,), jnp.float32),
            pltpu.SemaphoreType.DMA,
            pltpu.SemaphoreType.DMA,
        ],
    )
    out = sc(x1, k1)
    return out.reshape(BSC, A, 1)


def kernel(inputs, kernel):
    out_sc = _sc_part(inputs, kernel)
    out_tc = _tc_part(inputs, kernel)
    return jnp.concatenate([out_tc, out_sc], axis=0)

# --- scband reference (transcript-rebuilt; emitter-appended) ---
"""Pipeline reference for scband-tf-long-range-interactions-10677288698162 (READ-ONLY COPY).

The authoritative reference and input builder live on the scoring server;
editing this copy changes nothing except your own understanding.
"""

import jax, jax.numpy as jnp
import numpy as np

ACTOR_INDICES = jnp.arange(0, 1024, 16, dtype=jnp.int32)  # 64 actor feature indices
SIGN = -1.0

def setup_inputs(seed: int = 0) -> dict:
    key = jax.random.key(seed)
    k1, k2 = jax.random.split(key)
    inputs = jax.random.normal(k1, (1024, 50, 1024, 1), dtype=jnp.float32)
    # learned kernel per layer.build: shape (1, 1, actors_size, 1), uniform [0, 1), non-negative
    kernel = jax.random.uniform(k2, (1, 1, 64, 1), dtype=jnp.float32)
    return {"inputs": inputs, "kernel": kernel}

def reference(inputs, kernel):
    # actors = tf.gather(inputs, indices=actor_indices, axis=2)
    actors = jnp.take(inputs, ACTOR_INDICES, axis=2)  # [B, L, A, 1]
    # ef_A = sign * reduce_sum(kernel * actors, axis=1)
    ef_A = SIGN * jnp.sum(kernel * actors, axis=1)  # [B, A, 1]
    return ef_A

if __name__ == "__main__":
    import jax
    _d = setup_inputs()
    print(jax.jit(kernel)(*tuple(_d.values())))

</pallas_src>

<mosaic_0001>
#map = affine_map<(d0, d1) -> (0)>
module attributes {stable_mosaic.version = 14 : i64} {
  func.func @_sc_body(%arg0: i32, %arg1: i32, %arg2: memref<52428800xf32, #tpu.memory_space<hbm>>, %arg3: memref<64xf32, #tpu.memory_space<hbm>>, %arg4: memref<8192xf32, #tpu.memory_space<hbm>>, %arg5: memref<3200xi32, #tpu.memory_space<vmem>>, %arg6: memref<3200xf32, #tpu.memory_space<vmem>>, %arg7: memref<3200xf32, #tpu.memory_space<vmem>>, %arg8: memref<64xf32, #tpu.memory_space<vmem>>, %arg9: memref<256xf32, #tpu.memory_space<vmem>>, %arg10: memref<!tpu.dma_semaphore, #tpu.memory_space<semaphore_mem>>, %arg11: memref<!tpu.dma_semaphore, #tpu.memory_space<semaphore_mem>>) attributes {dimension_semantics = [#tpu.dimension_semantics<core_parallel>, #tpu.dimension_semantics<subcore_parallel>], iteration_bounds = array<i64: 2, 16>, scalar_prefetch = 0 : i64, scratch_operands = 7 : i64, tpu.core_type = #tpu.core_type<sc_vector_subcore>, window_params = [{transform_indices = #map}, {transform_indices = #map}, {transform_indices = #map}]} {
    %mul3A = arith.constant 2 : i32
    %mul3A_0 = arith.muli %arg1, %mul3A : i32
    %add3A = arith.addi %mul3A_0, %arg0 : i32
    %mul3A_1 = arith.constant 4 : i32
    %mul3A_2 = arith.muli %add3A, %mul3A_1 : i32
    %add3A_3 = arith.constant 896 : i32
    %add3A_4 = arith.addi %add3A_3, %mul3A_2 : i32
    "tpu.region"() ({
      %run_scoped3A = tpu.sem_alloc : memref<!tpu.dma_semaphore, #tpu.memory_space<semaphore_mem>>
      tpu.enqueue_dma source(%arg3 : memref<64xf32, #tpu.memory_space<hbm>>) target(%arg8 : memref<64xf32, #tpu.memory_space<vmem>>) target_semaphore(%run_scoped3A : memref<!tpu.dma_semaphore, #tpu.memory_space<semaphore_mem>>)
      tpu.wait_dma2 semaphore(%run_scoped3A : memref<!tpu.dma_semaphore, #tpu.memory_space<semaphore_mem>>) src(%arg3 : memref<64xf32, #tpu.memory_space<hbm>>) dst(%arg8 : memref<64xf32, #tpu.memory_space<vmem>>)
      tpu.yield
    }) : () -> ()
    %iota3A = tpu.iota {dimensions = array<i32: 0>} : vector<16xi32>
    %mul3A_5 = arith.constant 16 : i32
    %mul3A_6 = vector.broadcast %mul3A_5 : i32 to vector<16xi32>
    %mul3A_7 = arith.muli %iota3A, %mul3A_6 : vector<16xi32>
    %scan3A = arith.constant 0 : i32
    %scan3A_8 = arith.constant 0 : i32
    %scan3A_9 = arith.constant 200 : i32
    %scan3A_10 = arith.addi %scan3A_8, %scan3A_9 : i32
    %scan3A_11 = arith.constant 1 : i32
    scf.for %scan3A_29 = %scan3A_8 to %scan3A_10 step %scan3A_11  : i32 {
      %jit3A = arith.constant 4 : i32
      %div3A = arith.divsi %scan3A_29, %jit3A : i32
      %sign3A = arith.constant 0 : i32
      %sign3A_30 = arith.cmpi sgt, %scan3A_29, %sign3A : i32
      %sign3A_31 = arith.extui %sign3A_30 : i1 to i32
      %sign3A_32 = arith.constant 0 : i32
      %sign3A_33 = arith.cmpi slt, %scan3A_29, %sign3A_32 : i32
      %sign3A_34 = arith.extui %sign3A_33 : i1 to i32
      %sign3A_35 = arith.subi %sign3A_31, %sign3A_34 : i32
      %sign3A_36 = arith.constant 0 : i32
      %sign3A_37 = arith.cmpi sgt, %jit3A, %sign3A_36 : i32
      %sign3A_38 = arith.extui %sign3A_37 : i1 to i32
      %sign3A_39 = arith.constant 0 : i32
      %sign3A_40 = arith.cmpi slt, %jit3A, %sign3A_39 : i32
      %sign3A_41 = arith.extui %sign3A_40 : i1 to i32
      %sign3A_42 = arith.subi %sign3A_38, %sign3A_41 : i32
      %ne3A = arith.cmpi ne, %sign3A_35, %sign3A_42 : i32
      %rem3A = arith.remsi %scan3A_29, %jit3A : i32
      %ne3A_43 = arith.constant 0 : i32
      %ne3A_44 = arith.cmpi ne, %rem3A, %ne3A_43 : i32
      %and3A = arith.andi %ne3A, %ne3A_44 : i1
      %sub3A = arith.constant 1 : i32
      %sub3A_45 = arith.subi %div3A, %sub3A : i32
      %select_n3A = arith.select %and3A, %sub3A_45, %div3A : i32
      %jit3A_46 = arith.constant 4 : i32
      %eq3A = arith.constant 0 : i32
      %eq3A_47 = arith.cmpi eq, %jit3A_46, %eq3A : i32
      %jit3A_48 = arith.constant 1 : i32
      %select_n3A_49 = arith.select %eq3A_47, %jit3A_48, %jit3A_46 : i32
      %rem3A_50 = arith.remsi %scan3A_29, %select_n3A_49 : i32
      %ne3A_51 = arith.constant 0 : i32
      %ne3A_52 = arith.cmpi ne, %rem3A_50, %ne3A_51 : i32
      %lt3A = arith.constant 0 : i32
      %lt3A_53 = arith.cmpi slt, %rem3A_50, %lt3A : i32
      %lt3A_54 = arith.constant 0 : i32
      %lt3A_55 = arith.cmpi slt, %select_n3A_49, %lt3A_54 : i32
      %ne3A_56 = arith.xori %lt3A_53, %lt3A_55 : i1
      %and3A_57 = arith.andi %ne3A_56, %ne3A_52 : i1
      %add3A_58 = arith.addi %rem3A_50, %select_n3A_49 : i32
      %select_n3A_59 = arith.select %and3A_57, %add3A_58, %rem3A_50 : i32
      %mul3A_60 = arith.constant 1024 : i32
      %mul3A_61 = arith.muli %select_n3A, %mul3A_60 : i32
      %mul3A_62 = arith.constant 256 : i32
      %mul3A_63 = arith.muli %select_n3A_59, %mul3A_62 : i32
      %add3A_64 = arith.addi %mul3A_61, %mul3A_63 : i32
      %add3A_65 = vector.broadcast %add3A_64 : i32 to vector<16xi32>
      %add3A_66 = arith.addi %mul3A_7, %add3A_65 : vector<16xi32>
      %mul3A_67 = arith.constant 16 : i32
      %mul3A_68 = arith.muli %scan3A_29, %mul3A_67 : i32
      %swap3A = arith.index_cast %mul3A_68 : i32 to index
      %swap3A_69 = tpu.vector_load %arg5[%swap3A] {strides = array<i32>} : memref<3200xi32, #tpu.memory_space<vmem>>, vector<16xi32>,
      %swap3A_70 = vector.shape_cast %swap3A_69 : vector<16xi32> to vector<16xi32>
      %swap3A_71 = vector.shape_cast %add3A_66 : vector<16xi32> to vector<16xi32>
      tpu.vector_store %arg5[%swap3A], %swap3A_71 {strides = array<i32>} : memref<3200xi32, #tpu.memory_space<vmem>>, vector<16xi32>,
    }
    %scan3A_12 = arith.constant 200 : i32
    %scan3A_13 = arith.constant 0 : i32
    %scan3A_14 = arith.constant 0 : i32
    %scan3A_15 = arith.constant 25 : i32
    %scan3A_16 = arith.addi %scan3A_14, %scan3A_15 : i32
    %scan3A_17 = arith.constant 1 : i32
    scf.for %scan3A_29 = %scan3A_14 to %scan3A_16 step %scan3A_17  : i32 {
      %mul3A_30 = arith.constant 51200 : i32
      %mul3A_31 = arith.muli %add3A_4, %mul3A_30 : i32
      %mul3A_32 = arith.constant 128 : i32
      %mul3A_33 = arith.muli %scan3A_29, %mul3A_32 : i32
      %mul3A_34 = arith.constant 128 : i32
      %mul3A_35 = arith.muli %scan3A_29, %mul3A_34 : i32
      %dma_start3A = tpu.memref_slice %arg6[%mul3A_35] : memref<3200xf32, #tpu.memory_space<vmem>> -> memref<128xf32, #tpu.memory_space<vmem>>
      %dma_start3A_36 = tpu.memref_slice %arg5[%mul3A_33] : memref<3200xi32, #tpu.memory_space<vmem>> -> memref<128xi32, #tpu.memory_space<vmem>>
      %dma_start3A_37 = tpu.memref_slice %arg2[%mul3A_31] : memref<52428800xf32, #tpu.memory_space<hbm>> -> memref<51200xf32, #tpu.memory_space<hbm>>
      %dma_start3A_38 = arith.constant 0 : i32
      %dma_start3A_39 = tpu.memref_slice %dma_start3A_37[%dma_start3A_38] : memref<51200xf32, #tpu.memory_space<hbm>> -> memref<51200xf32, #tpu.memory_space<hbm>>
      tpu.enqueue_indirect_dma source(%dma_start3A_39 : memref<51200xf32, #tpu.memory_space<hbm>>) target(%dma_start3A : memref<128xf32, #tpu.memory_space<vmem>>) offsets(%dma_start3A_36 : memref<128xi32, #tpu.memory_space<vmem>>) semaphore(%arg10 : memref<!tpu.dma_semaphore, #tpu.memory_space<semaphore_mem>>)
    }
    %scan3A_18 = arith.constant 25 : i32
    %scan3A_19 = arith.constant 0 : i32
    %scan3A_20 = arith.constant 0 : i32
    %scan3A_21 = arith.constant 2 : i32
    %scan3A_22 = arith.addi %scan3A_20, %scan3A_21 : i32
    %scan3A_23 = arith.constant 1 : i32
    scf.for %scan3A_29 = %scan3A_20 to %scan3A_22 step %scan3A_23  : i32 {
      %mul3A_30 = arith.constant 2 : i32
      %mul3A_31 = arith.muli %mul3A_30, %scan3A_29 : i32
      %mul3A_32 = arith.constant 2 : i32
      %mul3A_33 = arith.muli %mul3A_32, %scan3A_29 : i32
      %add3A_34 = arith.constant 1 : i32
      %add3A_35 = arith.addi %mul3A_33, %add3A_34 : i32
      %add3A_36 = arith.addi %add3A_4, %add3A_35 : i32
      %scan3A_37 = arith.constant 0 : i32
      %scan3A_38 = arith.constant 0 : i32
      %scan3A_39 = arith.constant 25 : i32
      %scan3A_40 = arith.addi %scan3A_38, %scan3A_39 : i32
      %scan3A_41 = arith.constant 1 : i32
      scf.for %scan3A_237 = %scan3A_38 to %scan3A_40 step %scan3A_41  : i32 {
        %mul3A_238 = arith.constant 51200 : i32
        %mul3A_239 = arith.muli %add3A_36, %mul3A_238 : i32
        %mul3A_240 = arith.constant 128 : i32
        %mul3A_241 = arith.muli %scan3A_237, %mul3A_240 : i32
        %mul3A_242 = arith.constant 128 : i32
        %mul3A_243 = arith.muli %scan3A_237, %mul3A_242 : i32
        %dma_start3A = tpu.memref_slice %arg7[%mul3A_243] : memref<3200xf32, #tpu.memory_space<vmem>> -> memref<128xf32, #tpu.memory_space<vmem>>
        %dma_start3A_244 = tpu.memref_slice %arg5[%mul3A_241] : memref<3200xi32, #tpu.memory_space<vmem>> -> memref<128xi32, #tpu.memory_space<vmem>>
        %dma_start3A_245 = tpu.memref_slice %arg2[%mul3A_239] : memref<52428800xf32, #tpu.memory_space<hbm>> -> memref<51200xf32, #tpu.memory_space<hbm>>
        %dma_start3A_246 = arith.constant 0 : i32
        %dma_start3A_247 = tpu.memref_slice %dma_start3A_245[%dma_start3A_246] : memref<51200xf32, #tpu.memory_space<hbm>> -> memref<51200xf32, #tpu.memory_space<hbm>>
        tpu.enqueue_indirect_dma source(%dma_start3A_247 : memref<51200xf32, #tpu.memory_space<hbm>>) target(%dma_start3A : memref<128xf32, #tpu.memory_space<vmem>>) offsets(%dma_start3A_244 : memref<128xi32, #tpu.memory_space<vmem>>) semaphore(%arg11 : memref<!tpu.dma_semaphore, #tpu.memory_space<semaphore_mem>>)
      }
      %scan3A_42 = arith.constant 25 : i32
      %scan3A_43 = arith.constant 0 : i32
      %scan3A_44 = arith.constant 0 : i32
      %scan3A_45 = arith.constant 25 : i32
      %scan3A_46 = arith.addi %scan3A_44, %scan3A_45 : i32
      %scan3A_47 = arith.constant 1 : i32
      scf.for %scan3A_237 = %scan3A_44 to %scan3A_46 step %scan3A_47  : i32 {
        %dma_wait3A = arith.constant 0 : i32
        %dma_wait3A_238 = tpu.memref_slice %arg6[%dma_wait3A] : memref<3200xf32, #tpu.memory_space<vmem>> -> memref<128xf32, #tpu.memory_space<vmem>>
        %dma_wait3A_239 = arith.constant 0 : i32
        %dma_wait3A_240 = tpu.memref_slice %arg5[%dma_wait3A_239] : memref<3200xi32, #tpu.memory_space<vmem>> -> memref<128xi32, #tpu.memory_space<vmem>>
        %dma_wait3A_241 = arith.constant 0 : i32
        %dma_wait3A_242 = tpu.memref_slice %arg2[%dma_wait3A_241] : memref<52428800xf32, #tpu.memory_space<hbm>> -> memref<51200xf32, #tpu.memory_space<hbm>>
        %dma_wait3A_243 = arith.constant 0 : i32
        %dma_wait3A_244 = tpu.memref_slice %dma_wait3A_242[%dma_wait3A_243] : memref<51200xf32, #tpu.memory_space<hbm>> -> memref<51200xf32, #tpu.memory_space<hbm>>
        tpu.wait_indirect_dma semaphore(%arg10 : memref<!tpu.dma_semaphore, #tpu.memory_space<semaphore_mem>>) src(%dma_wait3A_244 : memref<51200xf32, #tpu.memory_space<hbm>>) dst(%dma_wait3A_238 : memref<128xf32, #tpu.memory_space<vmem>>)
      }
      %scan3A_48 = arith.constant 25 : i32
      %get3A = arith.constant 0 : index
      %get3A_49 = tpu.vector_load %arg8[%get3A] {strides = array<i32>} : memref<64xf32, #tpu.memory_space<vmem>>, vector<16xf32>,
      %get3A_50 = vector.shape_cast %get3A_49 : vector<16xf32> to vector<16xf32>
      %neg3A = arith.constant 0.000000e+00 : f32
      %neg3A_51 = vector.broadcast %neg3A : f32 to vector<16xf32>
      %neg3A_52 = arith.subf %neg3A_51, %get3A_50 : vector<16xf32>
      %broadcast_in_dim3A = arith.constant 0.000000e+00 : f32
      %broadcast_in_dim3A_53 = vector.broadcast %broadcast_in_dim3A : f32 to vector<16xf32>
      %scan3A_54 = arith.constant 0 : i32
      %scan3A_55 = arith.constant 50 : i32
      %scan3A_56 = arith.addi %scan3A_54, %scan3A_55 : i32
      %scan3A_57 = arith.constant 1 : i32
      %scan3A_58 = scf.for %scan3A_237 = %scan3A_54 to %scan3A_56 step %scan3A_57 iter_args(%scan3A_238 = %broadcast_in_dim3A_53) -> (vector<16xf32>)  : i32 {
        %mul3A_239 = arith.constant 64 : i32
        %mul3A_240 = arith.muli %scan3A_237, %mul3A_239 : i32
        %add3A_241 = arith.constant 0 : i32
        %add3A_242 = arith.addi %mul3A_240, %add3A_241 : i32
        %get3A_243 = arith.index_cast %add3A_242 : i32 to index
        %get3A_244 = tpu.vector_load %arg6[%get3A_243] {strides = array<i32>} : memref<3200xf32, #tpu.memory_space<vmem>>, vector<16xf32>,
        %get3A_245 = vector.shape_cast %get3A_244 : vector<16xf32> to vector<16xf32>
        %add3A_246 = arith.addf %scan3A_238, %get3A_245 : vector<16xf32>
        scf.yield %add3A_246 : vector<16xf32>
      }
      %scan3A_59 = arith.constant 50 : i32
      %mul3A_60 = arith.mulf %scan3A_58, %neg3A_52 : vector<16xf32>
      %mul3A_61 = arith.constant 64 : i32
      %mul3A_62 = arith.muli %mul3A_31, %mul3A_61 : i32
      %add3A_63 = arith.constant 0 : i32
      %add3A_64 = arith.addi %mul3A_62, %add3A_63 : i32
      %swap3A = arith.index_cast %add3A_64 : i32 to index
      %swap3A_65 = tpu.vector_load %arg9[%swap3A] {strides = array<i32>} : memref<256xf32, #tpu.memory_space<vmem>>, vector<16xf32>,
      %swap3A_66 = vector.shape_cast %swap3A_65 : vector<16xf32> to vector<16xf32>
      %swap3A_67 = vector.shape_cast %mul3A_60 : vector<16xf32> to vector<16xf32>
      tpu.vector_store %arg9[%swap3A], %swap3A_67 {strides = array<i32>} : memref<256xf32, #tpu.memory_space<vmem>>, vector<16xf32>,
      %get3A_68 = arith.constant 16 : index
      %get3A_69 = tpu.vector_load %arg8[%get3A_68] {strides = array<i32>} : memref<64xf32, #tpu.memory_space<vmem>>, vector<16xf32>,
      %get3A_70 = vector.shape_cast %get3A_69 : vector<16xf32> to vector<16xf32>
      %neg3A_71 = arith.constant 0.000000e+00 : f32
      %neg3A_72 = vector.broadcast %neg3A_71 : f32 to vector<16xf32>
      %neg3A_73 = arith.subf %neg3A_72, %get3A_70 : vector<16xf32>
      %broadcast_in_dim3A_74 = arith.constant 0.000000e+00 : f32
      %broadcast_in_dim3A_75 = vector.broadcast %broadcast_in_dim3A_74 : f32 to vector<16xf32>
      %scan3A_76 = arith.constant 0 : i32
      %scan3A_77 = arith.constant 50 : i32
      %scan3A_78 = arith.addi %scan3A_76, %scan3A_77 : i32
      %scan3A_79 = arith.constant 1 : i32
      %scan3A_80 = scf.for %scan3A_237 = %scan3A_76 to %scan3A_78 step %scan3A_79 iter_args(%scan3A_238 = %broadcast_in_dim3A_75) -> (vector<16xf32>)  : i32 {
        %mul3A_239 = arith.constant 64 : i32
        %mul3A_240 = arith.muli %scan3A_237, %mul3A_239 : i32
        %add3A_241 = arith.constant 16 : i32
        %add3A_242 = arith.addi %mul3A_240, %add3A_241 : i32
        %get3A_243 = arith.index_cast %add3A_242 : i32 to index
        %get3A_244 = tpu.vector_load %arg6[%get3A_243] {strides = array<i32>} : memref<3200xf32, #tpu.memory_space<vmem>>, vector<16xf32>,
        %get3A_245 = vector.shape_cast %get3A_244 : vector<16xf32> to vector<16xf32>
        %add3A_246 = arith.addf %scan3A_238, %get3A_245 : vector<16xf32>
        scf.yield %add3A_246 : vector<16xf32>
      }
      %scan3A_81 = arith.constant 50 : i32
      %mul3A_82 = arith.mulf %scan3A_80, %neg3A_73 : vector<16xf32>
      %mul3A_83 = arith.constant 64 : i32
      %mul3A_84 = arith.muli %mul3A_31, %mul3A_83 : i32
      %add3A_85 = arith.constant 16 : i32
      %add3A_86 = arith.addi %mul3A_84, %add3A_85 : i32
      %swap3A_87 = arith.index_cast %add3A_86 : i32 to index
      %swap3A_88 = tpu.vector_load %arg9[%swap3A_87] {strides = array<i32>} : memref<256xf32, #tpu.memory_space<vmem>>, vector<16xf32>,
      %swap3A_89 = vector.shape_cast %swap3A_88 : vector<16xf32> to vector<16xf32>
      %swap3A_90 = vector.shape_cast %mul3A_82 : vector<16xf32> to vector<16xf32>
      tpu.vector_store %arg9[%swap3A_87], %swap3A_90 {strides = array<i32>} : memref<256xf32, #tpu.memory_space<vmem>>, vector<16xf32>,
      %get3A_91 = arith.constant 32 : index
      %get3A_92 = tpu.vector_load %arg8[%get3A_91] {strides = array<i32>} : memref<64xf32, #tpu.memory_space<vmem>>, vector<16xf32>,
      %get3A_93 = vector.shape_cast %get3A_92 : vector<16xf32> to vector<16xf32>
      %neg3A_94 = arith.constant 0.000000e+00 : f32
      %neg3A_95 = vector.broadcast %neg3A_94 : f32 to vector<16xf32>
      %neg3A_96 = arith.subf %neg3A_95, %get3A_93 : vector<16xf32>
      %broadcast_in_dim3A_97 = arith.constant 0.000000e+00 : f32
      %broadcast_in_dim3A_98 = vector.broadcast %broadcast_in_dim3A_97 : f32 to vector<16xf32>
      %scan3A_99 = arith.constant 0 : i32
      %scan3A_100 = arith.constant 50 : i32
      %scan3A_101 = arith.addi %scan3A_99, %scan3A_100 : i32
      %scan3A_102 = arith.constant 1 : i32
      %scan3A_103 = scf.for %scan3A_237 = %scan3A_99 to %scan3A_101 step %scan3A_102 iter_args(%scan3A_238 = %broadcast_in_dim3A_98) -> (vector<16xf32>)  : i32 {
        %mul3A_239 = arith.constant 64 : i32
        %mul3A_240 = arith.muli %scan3A_237, %mul3A_239 : i32
        %add3A_241 = arith.constant 32 : i32
        %add3A_242 = arith.addi %mul3A_240, %add3A_241 : i32
        %get3A_243 = arith.index_cast %add3A_242 : i32 to index
        %get3A_244 = tpu.vector_load %arg6[%get3A_243] {strides = array<i32>} : memref<3200xf32, #tpu.memory_space<vmem>>, vector<16xf32>,
        %get3A_245 = vector.shape_cast %get3A_244 : vector<16xf32> to vector<16xf32>
        %add3A_246 = arith.addf %scan3A_238, %get3A_245 : vector<16xf32>
        scf.yield %add3A_246 : vector<16xf32>
      }
      %scan3A_104 = arith.constant 50 : i32
      %mul3A_105 = arith.mulf %scan3A_103, %neg3A_96 : vector<16xf32>
      %mul3A_106 = arith.constant 64 : i32
      %mul3A_107 = arith.muli %mul3A_31, %mul3A_106 : i32
      %add3A_108 = arith.constant 32 : i32
      %add3A_109 = arith.addi %mul3A_107, %add3A_108 : i32
      %swap3A_110 = arith.index_cast %add3A_109 : i32 to index
      %swap3A_111 = tpu.vector_load %arg9[%swap3A_110] {strides = array<i32>} : memref<256xf32, #tpu.memory_space<vmem>>, vector<16xf32>,
      %swap3A_112 = vector.shape_cast %swap3A_111 : vector<16xf32> to vector<16xf32>
      %swap3A_113 = vector.shape_cast %mul3A_105 : vector<16xf32> to vector<16xf32>
      tpu.vector_store %arg9[%swap3A_110], %swap3A_113 {strides = array<i32>} : memref<256xf32, #tpu.memory_space<vmem>>, vector<16xf32>,
      %get3A_114 = arith.constant 48 : index
      %get3A_115 = tpu.vector_load %arg8[%get3A_114] {strides = array<i32>} : memref<64xf32, #tpu.memory_space<vmem>>, vector<16xf32>,
      %get3A_116 = vector.shape_cast %get3A_115 : vector<16xf32> to vector<16xf32>
      %neg3A_117 = arith.constant 0.000000e+00 : f32
      %neg3A_118 = vector.broadcast %neg3A_117 : f32 to vector<16xf32>
      %neg3A_119 = arith.subf %neg3A_118, %get3A_116 : vector<16xf32>
      %broadcast_in_dim3A_120 = arith.constant 0.000000e+00 : f32
      %broadcast_in_dim3A_121 = vector.broadcast %broadcast_in_dim3A_120 : f32 to vector<16xf32>
      %scan3A_122 = arith.constant 0 : i32
      %scan3A_123 = arith.constant 50 : i32
      %scan3A_124 = arith.addi %scan3A_122, %scan3A_123 : i32
      %scan3A_125 = arith.constant 1 : i32
      %scan3A_126 = scf.for %scan3A_237 = %scan3A_122 to %scan3A_124 step %scan3A_125 iter_args(%scan3A_238 = %broadcast_in_dim3A_121) -> (vector<16xf32>)  : i32 {
        %mul3A_239 = arith.constant 64 : i32
        %mul3A_240 = arith.muli %scan3A_237, %mul3A_239 : i32
        %add3A_241 = arith.constant 48 : i32
        %add3A_242 = arith.addi %mul3A_240, %add3A_241 : i32
        %get3A_243 = arith.index_cast %add3A_242 : i32 to index
        %get3A_244 = tpu.vector_load %arg6[%get3A_243] {strides = array<i32>} : memref<3200xf32, #tpu.memory_space<vmem>>, vector<16xf32>,
        %get3A_245 = vector.shape_cast %get3A_244 : vector<16xf32> to vector<16xf32>
        %add3A_246 = arith.addf %scan3A_238, %get3A_245 : vector<16xf32>
        scf.yield %add3A_246 : vector<16xf32>
      }
      %scan3A_127 = arith.constant 50 : i32
      %mul3A_128 = arith.mulf %scan3A_126, %neg3A_119 : vector<16xf32>
      %mul3A_129 = arith.constant 64 : i32
      %mul3A_130 = arith.muli %mul3A_31, %mul3A_129 : i32
      %add3A_131 = arith.constant 48 : i32
      %add3A_132 = arith.addi %mul3A_130, %add3A_131 : i32
      %swap3A_133 = arith.index_cast %add3A_132 : i32 to index
      %swap3A_134 = tpu.vector_load %arg9[%swap3A_133] {strides = array<i32>} : memref<256xf32, #tpu.memory_space<vmem>>, vector<16xf32>,
      %swap3A_135 = vector.shape_cast %swap3A_134 : vector<16xf32> to vector<16xf32>
      %swap3A_136 = vector.shape_cast %mul3A_128 : vector<16xf32> to vector<16xf32>
      tpu.vector_store %arg9[%swap3A_133], %swap3A_136 {strides = array<i32>} : memref<256xf32, #tpu.memory_space<vmem>>, vector<16xf32>,
      %lt3A = arith.constant 1 : i32
      %lt3A_137 = arith.cmpi slt, %scan3A_29, %lt3A : i32
      %convert_element_type3A = arith.extui %lt3A_137 : i1 to i32
      %cond3A = arith.constant 0 : i32
      %cond3A_138 = arith.cmpi ne, %convert_element_type3A, %cond3A : i32
      scf.if %cond3A_138 {
        %add3A_237 = arith.addi %add3A_4, %mul3A_31 : i32
        %add3A_238 = arith.constant 2 : i32
        %add3A_239 = arith.addi %add3A_237, %add3A_238 : i32
        %scan3A_240 = arith.constant 0 : i32
        %scan3A_241 = arith.constant 0 : i32
        %scan3A_242 = arith.constant 25 : i32
        %scan3A_243 = arith.addi %scan3A_241, %scan3A_242 : i32
        %scan3A_244 = arith.constant 1 : i32
        scf.for %scan3A_246 = %scan3A_241 to %scan3A_243 step %scan3A_244  : i32 {
          %mul3A_247 = arith.constant 51200 : i32
          %mul3A_248 = arith.muli %add3A_239, %mul3A_247 : i32
          %mul3A_249 = arith.constant 128 : i32
          %mul3A_250 = arith.muli %scan3A_246, %mul3A_249 : i32
          %mul3A_251 = arith.constant 128 : i32
          %mul3A_252 = arith.muli %scan3A_246, %mul3A_251 : i32
          %dma_start3A = tpu.memref_slice %arg6[%mul3A_252] : memref<3200xf32, #tpu.memory_space<vmem>> -> memref<128xf32, #tpu.memory_space<vmem>>
          %dma_start3A_253 = tpu.memref_slice %arg5[%mul3A_250] : memref<3200xi32, #tpu.memory_space<vmem>> -> memref<128xi32, #tpu.memory_space<vmem>>
          %dma_start3A_254 = tpu.memref_slice %arg2[%mul3A_248] : memref<52428800xf32, #tpu.memory_space<hbm>> -> memref<51200xf32, #tpu.memory_space<hbm>>
          %dma_start3A_255 = arith.constant 0 : i32
          %dma_start3A_256 = tpu.memref_slice %dma_start3A_254[%dma_start3A_255] : memref<51200xf32, #tpu.memory_space<hbm>> -> memref<51200xf32, #tpu.memory_space<hbm>>
          tpu.enqueue_indirect_dma source(%dma_start3A_256 : memref<51200xf32, #tpu.memory_space<hbm>>) target(%dma_start3A : memref<128xf32, #tpu.memory_space<vmem>>) offsets(%dma_start3A_253 : memref<128xi32, #tpu.memory_space<vmem>>) semaphore(%arg10 : memref<!tpu.dma_semaphore, #tpu.memory_space<semaphore_mem>>)
        }
        %scan3A_245 = arith.constant 25 : i32
      } else {
      }
      %scan3A_139 = arith.constant 0 : i32
      %scan3A_140 = arith.constant 0 : i32
      %scan3A_141 = arith.constant 25 : i32
      %scan3A_142 = arith.addi %scan3A_140, %scan3A_141 : i32
      %scan3A_143 = arith.constant 1 : i32
      scf.for %scan3A_237 = %scan3A_140 to %scan3A_142 step %scan3A_143  : i32 {
        %dma_wait3A = arith.constant 0 : i32
        %dma_wait3A_238 = tpu.memref_slice %arg7[%dma_wait3A] : memref<3200xf32, #tpu.memory_space<vmem>> -> memref<128xf32, #tpu.memory_space<vmem>>
        %dma_wait3A_239 = arith.constant 0 : i32
        %dma_wait3A_240 = tpu.memref_slice %arg5[%dma_wait3A_239] : memref<3200xi32, #tpu.memory_space<vmem>> -> memref<128xi32, #tpu.memory_space<vmem>>
        %dma_wait3A_241 = arith.constant 0 : i32
        %dma_wait3A_242 = tpu.memref_slice %arg2[%dma_wait3A_241] : memref<52428800xf32, #tpu.memory_space<hbm>> -> memref<51200xf32, #tpu.memory_space<hbm>>
        %dma_wait3A_243 = arith.constant 0 : i32
        %dma_wait3A_244 = tpu.memref_slice %dma_wait3A_242[%dma_wait3A_243] : memref<51200xf32, #tpu.memory_space<hbm>> -> memref<51200xf32, #tpu.memory_space<hbm>>
        tpu.wait_indirect_dma semaphore(%arg11 : memref<!tpu.dma_semaphore, #tpu.memory_space<semaphore_mem>>) src(%dma_wait3A_244 : memref<51200xf32, #tpu.memory_space<hbm>>) dst(%dma_wait3A_238 : memref<128xf32, #tpu.memory_space<vmem>>)
      }
      %scan3A_144 = arith.constant 25 : i32
      %get3A_145 = arith.constant 0 : index
      %get3A_146 = tpu.vector_load %arg8[%get3A_145] {strides = array<i32>} : memref<64xf32, #tpu.memory_space<vmem>>, vector<16xf32>,
      %get3A_147 = vector.shape_cast %get3A_146 : vector<16xf32> to vector<16xf32>
      %neg3A_148 = arith.constant 0.000000e+00 : f32
      %neg3A_149 = vector.broadcast %neg3A_148 : f32 to vector<16xf32>
      %neg3A_150 = arith.subf %neg3A_149, %get3A_147 : vector<16xf32>
      %broadcast_in_dim3A_151 = arith.constant 0.000000e+00 : f32
      %broadcast_in_dim3A_152 = vector.broadcast %broadcast_in_dim3A_151 : f32 to vector<16xf32>
      %scan3A_153 = arith.constant 0 : i32
      %scan3A_154 = arith.constant 50 : i32
      %scan3A_155 = arith.addi %scan3A_153, %scan3A_154 : i32
      %scan3A_156 = arith.constant 1 : i32
      %scan3A_157 = scf.for %scan3A_237 = %scan3A_153 to %scan3A_155 step %scan3A_156 iter_args(%scan3A_238 = %broadcast_in_dim3A_152) -> (vector<16xf32>)  : i32 {
        %mul3A_239 = arith.constant 64 : i32
        %mul3A_240 = arith.muli %scan3A_237, %mul3A_239 : i32
        %add3A_241 = arith.constant 0 : i32
        %add3A_242 = arith.addi %mul3A_240, %add3A_241 : i32
        %get3A_243 = arith.index_cast %add3A_242 : i32 to index
        %get3A_244 = tpu.vector_load %arg7[%get3A_243] {strides = array<i32>} : memref<3200xf32, #tpu.memory_space<vmem>>, vector<16xf32>,
        %get3A_245 = vector.shape_cast %get3A_244 : vector<16xf32> to vector<16xf32>
        %add3A_246 = arith.addf %scan3A_238, %get3A_245 : vector<16xf32>
        scf.yield %add3A_246 : vector<16xf32>
      }
      %scan3A_158 = arith.constant 50 : i32
      %mul3A_159 = arith.mulf %scan3A_157, %neg3A_150 : vector<16xf32>
      %mul3A_160 = arith.constant 64 : i32
      %mul3A_161 = arith.muli %add3A_35, %mul3A_160 : i32
      %add3A_162 = arith.constant 0 : i32
      %add3A_163 = arith.addi %mul3A_161, %add3A_162 : i32
      %swap3A_164 = arith.index_cast %add3A_163 : i32 to index
      %swap3A_165 = tpu.vector_load %arg9[%swap3A_164] {strides = array<i32>} : memref<256xf32, #tpu.memory_space<vmem>>, vector<16xf32>,
      %swap3A_166 = vector.shape_cast %swap3A_165 : vector<16xf32> to vector<16xf32>
      %swap3A_167 = vector.shape_cast %mul3A_159 : vector<16xf32> to vector<16xf32>
      tpu.vector_store %arg9[%swap3A_164], %swap3A_167 {strides = array<i32>} : memref<256xf32, #tpu.memory_space<vmem>>, vector<16xf32>,
      %get3A_168 = arith.constant 16 : index
      %get3A_169 = tpu.vector_load %arg8[%get3A_168] {strides = array<i32>} : memref<64xf32, #tpu.memory_space<vmem>>, vector<16xf32>,
      %get3A_170 = vector.shape_cast %get3A_169 : vector<16xf32> to vector<16xf32>
      %neg3A_171 = arith.constant 0.000000e+00 : f32
      %neg3A_172 = vector.broadcast %neg3A_171 : f32 to vector<16xf32>
      %neg3A_173 = arith.subf %neg3A_172, %get3A_170 : vector<16xf32>
      %broadcast_in_dim3A_174 = arith.constant 0.000000e+00 : f32
      %broadcast_in_dim3A_175 = vector.broadcast %broadcast_in_dim3A_174 : f32 to vector<16xf32>
      %scan3A_176 = arith.constant 0 : i32
      %scan3A_177 = arith.constant 50 : i32
      %scan3A_178 = arith.addi %scan3A_176, %scan3A_177 : i32
      %scan3A_179 = arith.constant 1 : i32
      %scan3A_180 = scf.for %scan3A_237 = %scan3A_176 to %scan3A_178 step %scan3A_179 iter_args(%scan3A_238 = %broadcast_in_dim3A_175) -> (vector<16xf32>)  : i32 {
        %mul3A_239 = arith.constant 64 : i32
        %mul3A_240 = arith.muli %scan3A_237, %mul3A_239 : i32
        %add3A_241 = arith.constant 16 : i32
        %add3A_242 = arith.addi %mul3A_240, %add3A_241 : i32
        %get3A_243 = arith.index_cast %add3A_242 : i32 to index
        %get3A_244 = tpu.vector_load %arg7[%get3A_243] {strides = array<i32>} : memref<3200xf32, #tpu.memory_space<vmem>>, vector<16xf32>,
        %get3A_245 = vector.shape_cast %get3A_244 : vector<16xf32> to vector<16xf32>
        %add3A_246 = arith.addf %scan3A_238, %get3A_245 : vector<16xf32>
        scf.yield %add3A_246 : vector<16xf32>
      }
      %scan3A_181 = arith.constant 50 : i32
      %mul3A_182 = arith.mulf %scan3A_180, %neg3A_173 : vector<16xf32>
      %mul3A_183 = arith.constant 64 : i32
      %mul3A_184 = arith.muli %add3A_35, %mul3A_183 : i32
      %add3A_185 = arith.constant 16 : i32
      %add3A_186 = arith.addi %mul3A_184, %add3A_185 : i32
      %swap3A_187 = arith.index_cast %add3A_186 : i32 to index
      %swap3A_188 = tpu.vector_load %arg9[%swap3A_187] {strides = array<i32>} : memref<256xf32, #tpu.memory_space<vmem>>, vector<16xf32>,
      %swap3A_189 = vector.shape_cast %swap3A_188 : vector<16xf32> to vector<16xf32>
      %swap3A_190 = vector.shape_cast %mul3A_182 : vector<16xf32> to vector<16xf32>
      tpu.vector_store %arg9[%swap3A_187], %swap3A_190 {strides = array<i32>} : memref<256xf32, #tpu.memory_space<vmem>>, vector<16xf32>,
      %get3A_191 = arith.constant 32 : index
      %get3A_192 = tpu.vector_load %arg8[%get3A_191] {strides = array<i32>} : memref<64xf32, #tpu.memory_space<vmem>>, vector<16xf32>,
      %get3A_193 = vector.shape_cast %get3A_192 : vector<16xf32> to vector<16xf32>
      %neg3A_194 = arith.constant 0.000000e+00 : f32
      %neg3A_195 = vector.broadcast %neg3A_194 : f32 to vector<16xf32>
      %neg3A_196 = arith.subf %neg3A_195, %get3A_193 : vector<16xf32>
      %broadcast_in_dim3A_197 = arith.constant 0.000000e+00 : f32
      %broadcast_in_dim3A_198 = vector.broadcast %broadcast_in_dim3A_197 : f32 to vector<16xf32>
      %scan3A_199 = arith.constant 0 : i32
      %scan3A_200 = arith.constant 50 : i32
      %scan3A_201 = arith.addi %scan3A_199, %scan3A_200 : i32
      %scan3A_202 = arith.constant 1 : i32
      %scan3A_203 = scf.for %scan3A_237 = %scan3A_199 to %scan3A_201 step %scan3A_202 iter_args(%scan3A_238 = %broadcast_in_dim3A_198) -> (vector<16xf32>)  : i32 {
        %mul3A_239 = arith.constant 64 : i32
        %mul3A_240 = arith.muli %scan3A_237, %mul3A_239 : i32
        %add3A_241 = arith.constant 32 : i32
        %add3A_242 = arith.addi %mul3A_240, %add3A_241 : i32
        %get3A_243 = arith.index_cast %add3A_242 : i32 to index
        %get3A_244 = tpu.vector_load %arg7[%get3A_243] {strides = array<i32>} : memref<3200xf32, #tpu.memory_space<vmem>>, vector<16xf32>,
        %get3A_245 = vector.shape_cast %get3A_244 : vector<16xf32> to vector<16xf32>
        %add3A_246 = arith.addf %scan3A_238, %get3A_245 : vector<16xf32>
        scf.yield %add3A_246 : vector<16xf32>
      }
      %scan3A_204 = arith.constant 50 : i32
      %mul3A_205 = arith.mulf %scan3A_203, %neg3A_196 : vector<16xf32>
      %mul3A_206 = arith.constant 64 : i32
      %mul3A_207 = arith.muli %add3A_35, %mul3A_206 : i32
      %add3A_208 = arith.constant 32 : i32
      %add3A_209 = arith.addi %mul3A_207, %add3A_208 : i32
      %swap3A_210 = arith.index_cast %add3A_209 : i32 to index
      %swap3A_211 = tpu.vector_load %arg9[%swap3A_210] {strides = array<i32>} : memref<256xf32, #tpu.memory_space<vmem>>, vector<16xf32>,
      %swap3A_212 = vector.shape_cast %swap3A_211 : vector<16xf32> to vector<16xf32>
      %swap3A_213 = vector.shape_cast %mul3A_205 : vector<16xf32> to vector<16xf32>
      tpu.vector_store %arg9[%swap3A_210], %swap3A_213 {strides = array<i32>} : memref<256xf32, #tpu.memory_space<vmem>>, vector<16xf32>,
      %get3A_214 = arith.constant 48 : index
      %get3A_215 = tpu.vector_load %arg8[%get3A_214] {strides = array<i32>} : memref<64xf32, #tpu.memory_space<vmem>>, vector<16xf32>,
      %get3A_216 = vector.shape_cast %get3A_215 : vector<16xf32> to vector<16xf32>
      %neg3A_217 = arith.constant 0.000000e+00 : f32
      %neg3A_218 = vector.broadcast %neg3A_217 : f32 to vector<16xf32>
      %neg3A_219 = arith.subf %neg3A_218, %get3A_216 : vector<16xf32>
      %broadcast_in_dim3A_220 = arith.constant 0.000000e+00 : f32
      %broadcast_in_dim3A_221 = vector.broadcast %broadcast_in_dim3A_220 : f32 to vector<16xf32>
      %scan3A_222 = arith.constant 0 : i32
      %scan3A_223 = arith.constant 50 : i32
      %scan3A_224 = arith.addi %scan3A_222, %scan3A_223 : i32
      %scan3A_225 = arith.constant 1 : i32
      %scan3A_226 = scf.for %scan3A_237 = %scan3A_222 to %scan3A_224 step %scan3A_225 iter_args(%scan3A_238 = %broadcast_in_dim3A_221) -> (vector<16xf32>)  : i32 {
        %mul3A_239 = arith.constant 64 : i32
        %mul3A_240 = arith.muli %scan3A_237, %mul3A_239 : i32
        %add3A_241 = arith.constant 48 : i32
        %add3A_242 = arith.addi %mul3A_240, %add3A_241 : i32
        %get3A_243 = arith.index_cast %add3A_242 : i32 to index
        %get3A_244 = tpu.vector_load %arg7[%get3A_243] {strides = array<i32>} : memref<3200xf32, #tpu.memory_space<vmem>>, vector<16xf32>,
        %get3A_245 = vector.shape_cast %get3A_244 : vector<16xf32> to vector<16xf32>
        %add3A_246 = arith.addf %scan3A_238, %get3A_245 : vector<16xf32>
        scf.yield %add3A_246 : vector<16xf32>
      }
      %scan3A_227 = arith.constant 50 : i32
      %mul3A_228 = arith.mulf %scan3A_226, %neg3A_219 : vector<16xf32>
      %mul3A_229 = arith.constant 64 : i32
      %mul3A_230 = arith.muli %add3A_35, %mul3A_229 : i32
      %add3A_231 = arith.constant 48 : i32
      %add3A_232 = arith.addi %mul3A_230, %add3A_231 : i32
      %swap3A_233 = arith.index_cast %add3A_232 : i32 to index
      %swap3A_234 = tpu.vector_load %arg9[%swap3A_233] {strides = array<i32>} : memref<256xf32, #tpu.memory_space<vmem>>, vector<16xf32>,
      %swap3A_235 = vector.shape_cast %swap3A_234 : vector<16xf32> to vector<16xf32>
      %swap3A_236 = vector.shape_cast %mul3A_228 : vector<16xf32> to vector<16xf32>
      tpu.vector_store %arg9[%swap3A_233], %swap3A_236 {strides = array<i32>} : memref<256xf32, #tpu.memory_space<vmem>>, vector<16xf32>,
    }
    %scan3A_24 = arith.constant 2 : i32
    %mul3A_25 = arith.constant 4 : i32
    %mul3A_26 = arith.muli %add3A, %mul3A_25 : i32
    %mul3A_27 = arith.constant 64 : i32
    %mul3A_28 = arith.muli %mul3A_26, %mul3A_27 : i32
    "tpu.region"() ({
      %run_scoped3A = tpu.sem_alloc : memref<!tpu.dma_semaphore, #tpu.memory_space<semaphore_mem>>
      %dma_start3A = tpu.memref_slice %arg4[%mul3A_28] : memref<8192xf32, #tpu.memory_space<hbm>> -> memref<256xf32, #tpu.memory_space<hbm>>
      %dma_start3A_29 = tpu.memref_slice %arg4[%mul3A_28] : memref<8192xf32, #tpu.memory_space<hbm>> -> memref<256xf32, #tpu.memory_space<hbm>>
      tpu.enqueue_dma source(%arg9 : memref<256xf32, #tpu.memory_space<vmem>>) target(%dma_start3A_29 : memref<256xf32, #tpu.memory_space<hbm>>) target_semaphore(%run_scoped3A : memref<!tpu.dma_semaphore, #tpu.memory_space<semaphore_mem>>)
      %dma_wait3A = tpu.memref_slice %arg4[%mul3A_28] : memref<8192xf32, #tpu.memory_space<hbm>> -> memref<256xf32, #tpu.memory_space<hbm>>
      %dma_wait3A_30 = tpu.memref_slice %arg4[%mul3A_28] : memref<8192xf32, #tpu.memory_space<hbm>> -> memref<256xf32, #tpu.memory_space<hbm>>
      tpu.wait_dma2 semaphore(%run_scoped3A : memref<!tpu.dma_semaphore, #tpu.memory_space<semaphore_mem>>) src(%arg9 : memref<256xf32, #tpu.memory_space<vmem>>) dst(%dma_wait3A_30 : memref<256xf32, #tpu.memory_space<hbm>>)
      tpu.yield
    }) : () -> ()
    return
  }
}

module attributes {stable_mosaic.version = 14 : i64} {
  func.func @_tc_body(%arg0: i32, %arg1: memref<32x50x8x128xf32, #tpu.memory_space<vmem>>, %arg2: memref<1x8x8xf32, #tpu.memory_space<vmem>>, %arg3: memref<32x8x8xf32, #tpu.memory_space<vmem>>) attributes {dimension_semantics = [#tpu.dimension_semantics<arbitrary>], iteration_bounds = array<i64: 28>, scalar_prefetch = 0 : i64, scratch_operands = 0 : i64, tpu.core_type = #tpu.core_type<tc>, window_params = [{transform_indices = @transform_0, window_bounds = array<i64: 32, 50, 8, 128>}, {pipeline_mode = #tpu.pipeline_mode<synchronous>, transform_indices = @transform_1, window_bounds = array<i64: 1, 8, 8>}, {transform_indices = @transform_2, window_bounds = array<i64: 32, 8, 8>}]} {
    %get3A = arith.constant 0 : index
    %get3A_0 = arith.constant 0 : index
    %get3A_1 = arith.constant 0 : index
    %get3A_2 = arith.constant 0 : index
    %get3A_3 = vector.load %arg1[%get3A, %get3A_0, %get3A_1, %get3A_2] : memref<32x50x8x128xf32, #tpu.memory_space<vmem>>, vector<32x50x8x128xf32>
    %reduce_sum3A = arith.constant dense<0.000000e+00> : vector<32x8x128xf32>
    %reduce_sum3A_4 = vector.multi_reduction <add>, %get3A_3, %reduce_sum3A [1] : vector<32x50x8x128xf32> to vector<32x8x128xf32>
    %reshape3A = vector.shape_cast %reduce_sum3A_4 : vector<32x8x128xf32> to vector<256x128xf32>
    %iota3A = tpu.iota {dimensions = array<i32: 0>} : vector<128x8xi32>
    %iota3A_5 = tpu.iota {dimensions = array<i32: 1>} : vector<128x8xi32>
    %mul3A = arith.constant 16 : i32
    %mul3A_6 = vector.broadcast %mul3A : i32 to vector<128x8xi32>
    %mul3A_7 = arith.muli %iota3A_5, %mul3A_6 : vector<128x8xi32>
    %eq3A = arith.cmpi eq, %iota3A, %mul3A_7 : vector<128x8xi32>
    %jit3A = arith.constant 1.000000e+00 : f32
    %jit3A_8 = arith.constant 0.000000e+00 : f32
    %broadcast_in_dim3A = vector.broadcast %jit3A : f32 to vector<128x8xf32>
    %broadcast_in_dim3A_9 = vector.broadcast %jit3A_8 : f32 to vector<128x8xf32>
    %select_n3A = arith.select %eq3A, %broadcast_in_dim3A, %broadcast_in_dim3A_9 : vector<128x8xi1>, vector<128x8xf32>
    %dot_general3A = arith.constant dense<0.000000e+00> : vector<256x8xf32>
    %dot_general3A_10 = tpu.matmul %reshape3A, %select_n3A, %dot_general3A {dimension_numbers = #tpu.dot_dimension_numbers<[1], [0], [0], [1], [0, 0, 1, 1], [], []>, transpose_lhs_hint = false} : vector<256x128xf32>, vector<128x8xf32>, vector<256x8xf32> -> vector<256x8xf32>
    %reshape3A_11 = vector.shape_cast %dot_general3A_10 : vector<256x8xf32> to vector<32x8x8xf32>
    %get3A_12 = arith.constant 0 : index
    %get3A_13 = arith.constant 0 : index
    %get3A_14 = arith.constant 0 : index
    %get3A_15 = vector.load %arg2[%get3A_12, %get3A_13, %get3A_14] : memref<1x8x8xf32, #tpu.memory_space<vmem>>, vector<1x8x8xf32>
    %mul3A_16 = vector.broadcast %get3A_15 : vector<1x8x8xf32> to vector<32x8x8xf32>
    %mul3A_17 = arith.mulf %reshape3A_11, %mul3A_16 : vector<32x8x8xf32>
    %swap3A = arith.constant 0 : index
    %swap3A_18 = arith.constant 0 : index
    %swap3A_19 = arith.constant 0 : index
    %swap3A_20 = vector.load %arg3[%swap3A, %swap3A_18, %swap3A_19] : memref<32x8x8xf32, #tpu.memory_space<vmem>>, vector<32x8x8xf32>
    tpu.vector_store %arg3[%swap3A, %swap3A_18, %swap3A_19], %mul3A_17 {strides = array<i32>} : memref<32x8x8xf32, #tpu.memory_space<vmem>>, vector<32x8x8xf32>,
    return
  }
  func.func @transform_0(%arg0: i32) -> (i32, i32, i32, i32) {
    %c0_i32 = arith.constant 0 : i32
    %c0_i32_0 = arith.constant 0 : i32
    %c0_i32_1 = arith.constant 0 : i32
    %c0_i32_2 = arith.constant 0 : i32
    return %arg0, %c0_i32, %c0_i32_0, %c0_i32_1 : i32, i32, i32, i32
  }
  func.func @transform_1(%arg0: i32) -> (i32, i32, i32) {
    %c0_i32 = arith.constant 0 : i32
    %c0_i32_0 = arith.constant 0 : i32
    %c0_i32_1 = arith.constant 0 : i32
    %c0_i32_2 = arith.constant 0 : i32
    return %c0_i32, %c0_i32_0, %c0_i32_1 : i32, i32, i32
  }
  func.func @transform_2(%arg0: i32) -> (i32, i32, i32) {
    %c0_i32 = arith.constant 0 : i32
    %c0_i32_0 = arith.constant 0 : i32
    %c0_i32_1 = arith.constant 0 : i32
    return %arg0, %c0_i32, %c0_i32_0 : i32, i32, i32
  }
}

</mosaic_0001>

<sc_bundles>
// kernel: kernel.5.cloned.1.call-start
scs
__scs_entry_jumppad:
0x0: {  	(pc) =	sbr.rel $0x88, $3  }
0x1: {  	(tag) =	ssettag $0x0;
	lr =	simm.s32 $0x1  }
0x2: {  	[smem:$0x3F9F] =	sst lr;
	_ =	strace $0xD0000000  }
0x3: {  	_ = 	snop  }
0x4: {  	_ = 	snop  }
0x5: {  	_ = 	snop  }
0x6: {  	_ = 	snop  }
0x7: {  	_ = 	snop  }
__scs_overlays_trampoline_lowered:
0x8: {  	[smem:$0x3FAE] =	sst s0  }
0x9: {  	[smem:$0x3FAF] =	sst s1  }
0xa: {  	[smem:$0x3FB0] =	sst s2  }
0xb: {  	[smem:$0x3FB1] =	sst s3  }
0xc: {  	[smem:$0x3FB2] =	sst s4  }
0xd: {  	[smem:$0x3FB3] =	sst s5  }
0xe: {  	[smem:$0x3FB4] =	sst s6  }
0xf: {  	[smem:$0x3FB5] =	sst s7  }
0x10: {  	[smem:$0x3FB6] =	sst s8  }
0x11: {  	[smem:$0x3FB7] =	sst s9;
	s0 =	simm.s32 @!p0 $0x0  }
0x12: {  	s1 =	sld [smem:$0x3F9D];
	s0 =	simm.s32 @p0 $0x1  }
0x13: {  	[smem:$0x3FB8] =	sst s0;
	s0 =	simm.s32 @!p1 $0x0  }
0x14: {  	s2 =	sld [smem:$0x3F9C];
	s0 =	simm.s32 @p1 $0x1  }
0x15: {  	[smem:$0x3FB9] =	sst s0;
	s0 =	simm.s32 @!p2 $0x0  }
0x16: {  	s3 =	sld [smem:$0x3FDB];
	s0 =	simm.s32 @p2 $0x1  }
0x17: {  	s4 =	simm.s32 $0x1BF5;
	[smem:$0x3FBB] =	sst s0  }
0x18: {  	s0 =	sld [smem:$0x3F9E];
	_ =	swait.ge [sflag:s4], $0x0  }
0x19: {  	s7 =	sld [smem:$0x3F9F]  }
0x1a: {  	s8 =	sadd.s32 $0xFFFFE003, lr  }
0x1b: {  	s9 =	sadd.s32 $0xFFFFFEF7, lr;
	s5 =	simm.s32 $0xFFFFFFFF;
	p2 =	slt.u32 s8, $0xFFFFF086  }
0x1c: {  	p1 =	slt.u32 s9, $0xF7A;
	s5 =	simm.s32 @!p2 $0x0  }
0x1d: {  	s5 =	simm.s32 @p1 $0x1;
	p0 =	seq.s32 s7, s2  }
0x1e: {  	s7 =	smul.u32 @!p0 $0xF7A, s2;
	p2 =	seq.s32 @!p0 s5, $0x0  }
0x1f: {  	s9 =	smul.u32 $0xF7A, s1;
	s8 =	simm.s32 @!p0 $0x1BF5;
	p2 =	por !p2, p0  }
0x20: {  	[sflag:s8] =	ssyncset.s32 @!p0 $0xFFFFF086;
	s6 =	sadd.s32 @!p0 s3, s7;
	s7 =	simm.s32 @!p0 $0x108  }
0x21: {  	s3 =	sadd.s32 s3, s9;
	s6 =	sadd.s32 @!p0 $0x88, s6;
	s7 =	simm.s32 @p2 $0x1082  }
0x22: {  	[simem:s7], [sflag:s8] =	dma.local @!p0 [hbm:s6], $0xF7A  }
0x23: {  	s9 =	sor.u32 $0xD0000000, s2;
	s6 =	simm.s32 $0x108;
	_ =	swait.ge @!p0 [sflag:s8], $0x0  }
0x24: {  	s3 =	sadd.s32 $0x88, s3;
	s6 =	simm.s32 @!p1 $0x1082;
	[sflag:s4] =	ssyncset.s32 $0xFFFFF086  }
0x25: {  	[simem:s6], [sflag:s4] =	dma.local [hbm:s3], $0xF7A  }
0x26: {  	[smem:$0x3F9F] =	sst s1;
	(tag) =	ssettag s2;
	_ =	strace s9  }
0x27: {  	s1 =	sld [smem:$0x3FAF]  }
0x28: {  	s2 =	sld [smem:$0x3FB0]  }
0x29: {  	s4 =	sld [smem:$0x3FB2]  }
0x2a: {  	p0 =	seq.s32 s5, $0x0;
	s5 =	sld [smem:$0x3FB3]  }
0x2b: {  	s6 =	sld [smem:$0x3FB4]  }
0x2c: {  	s7 =	sld [smem:$0x3FB5]  }
0x2d: {  	s3 =	simm.s32 $0x108;
	s8 =	sld [smem:$0x3FB6]  }
0x2e: {  	s3 =	simm.s32 @!p0 $0x1082;
	s9 =	sld [smem:$0x3FB7]  }
0x2f: {  	lr =	sadd.s32 s0, s3;
	s0 =	sld [smem:$0x3FAE]  }
0x30: {  	s3 =	sld [smem:$0x3FB1]  }
0x31: {  	[smem:$0x3FBA] =	sst s10  }
0x32: {  	s10 =	sld [smem:$0x3FB8];
	_ =	sdelay $0x3  }
0x33: {  	p0 =	seq.s32 s10, $0x1;
	s10 =	sld [smem:$0x3FBA];
	_ =	sdelay $0x3  }
0x34: {  	[smem:$0x3FBA] =	sst s10  }
0x35: {  	s10 =	sld [smem:$0x3FB9];
	_ =	sdelay $0x3  }
0x36: {  	p1 =	seq.s32 s10, $0x1;
	s10 =	sld [smem:$0x3FBA];
	_ =	sdelay $0x3  }
0x37: {  	[smem:$0x3FBA] =	sst s10  }
0x38: {  	s10 =	sld [smem:$0x3FBB]  }
0x39: {  	_ = 	snop;
	(pc) =	sbr.ind lr, $3  }
0x3a: {  	_ = 	snop  }
0x3b: {  	_ = 	snop  }
0x3c: {  	p2 =	seq.s32 s10, $0x1;
	s10 =	sld [smem:$0x3FBA]  }
0x3d: {  	_ =	shalt  }
0x3e: {  	_ =	shalt  }
0x3f: {  	_ =	shalt  }
0x40: {  	_ =	shalt  }
0x41: {  	_ =	shalt  }
0x42: {  	_ =	shalt  }
0x43: {  	_ =	shalt  }
0x44: {  	_ =	shalt  }
0x45: {  	_ =	shalt  }
0x46: {  	_ =	shalt  }
0x47: {  	_ =	shalt  }
0x48: {  	_ =	shalt  }
0x49: {  	_ =	shalt  }
0x4a: {  	_ =	shalt  }
0x4b: {  	_ =	shalt  }
0x4c: {  	_ =	shalt  }
0x4d: {  	_ =	shalt  }
0x4e: {  	_ =	shalt  }
0x4f: {  	_ =	shalt  }
0x50: {  	_ =	shalt  }
0x51: {  	_ =	shalt  }
0x52: {  	_ =	shalt  }
0x53: {  	_ =	shalt  }
0x54: {  	_ =	shalt  }
0x55: {  	_ =	shalt  }
0x56: {  	_ =	shalt  }
0x57: {  	_ =	shalt  }
0x58: {  	_ =	shalt  }
0x59: {  	_ =	shalt  }
0x5a: {  	_ =	shalt  }
0x5b: {  	_ =	shalt  }
0x5c: {  	_ =	shalt  }
0x5d: {  	_ =	shalt  }
0x5e: {  	_ =	shalt  }
0x5f: {  	_ =	shalt  }
0x60: {  	_ =	shalt  }
0x61: {  	_ =	shalt  }
0x62: {  	_ =	shalt  }
0x63: {  	_ =	shalt  }
0x64: {  	_ =	shalt  }
0x65: {  	_ =	shalt  }
0x66: {  	_ =	shalt  }
0x67: {  	_ =	shalt  }
0x68: {  	_ =	shalt  }
0x69: {  	_ =	shalt  }
0x6a: {  	_ =	shalt  }
0x6b: {  	_ =	shalt  }
0x6c: {  	_ =	shalt  }
0x6d: {  	_ =	shalt  }
0x6e: {  	_ =	shalt  }
0x6f: {  	_ =	shalt  }
0x70: {  	_ =	shalt  }
0x71: {  	_ =	shalt  }
0x72: {  	_ =	shalt  }
0x73: {  	_ =	shalt  }
0x74: {  	_ =	shalt  }
0x75: {  	_ =	shalt  }
0x76: {  	_ =	shalt  }
0x77: {  	_ =	shalt  }
0x78: {  	_ =	shalt  }
0x79: {  	_ =	shalt  }
0x7a: {  	_ =	shalt  }
0x7b: {  	_ =	shalt  }
0x7c: {  	_ =	shalt  }
0x7d: {  	_ =	shalt  }
0x7e: {  	_ =	shalt  }
0x7f: {  	_ =	shalt  }
0x80: {  	_ =	shalt  }
0x81: {  	_ =	shalt  }
0x82: {  	_ =	shalt  }
0x83: {  	_ =	shalt  }
0x84: {  	_ =	shalt  }
0x85: {  	_ =	shalt  }
0x86: {  	_ =	shalt  }
0x87: {  	_ =	shalt  }
.Lfunc_end0:
.L_simem_size_0:
called_computation_lowered:
.L_overlay_start_0:
0x88: {  	s2 =	sld [smem:$0x3FD9]  }
0x89: {  	s3 =	sld [smem:$0x3FFE];
	_ =	sdelay $0x1  }
0x8a: {  	s1 =	srdreg.scid  }
0x8b: {  	s0 =	sand.u32 $0x1, s1  }
0x8c: {  	s18 =	sshll.u32 s0, $0xA;
	s2 =	sadd.s32 s3, s2  }
0x8d: {  	s2 =	sadd.s32 s2, s18  }
0x8e: {  	[smem:$0x3FC6] =	sst s2  }
0x8f: {  	_ = 	snop  }
0x90: {  	s2 =	sld [smem:$0x3FC9]  }
0x91: {  	s19 =	sld [smem:$0x3FC8]  }
0x92: {  	s4 =	sld [smem:$0x3FD0];
	(tm) =	ssettm $0x1  }
0x93: {  	s5 =	sld [smem:$0x3FFB];
	_ =	sdelay $0x3  }
0x94: {  	_ =	strace s5  }
0x95: {  	s5 =	sld [smem:$0x3FFC];
	_ =	sdelay $0x3  }
0x96: {  	_ =	strace s5  }
0x97: {  	s5 =	sld [smem:$0x3FFD];
	_ =	sdelay $0x3  }
0x98: {  	_ =	strace s5  }
0x99: {  	_ =	strace $0x8FFFFFFF  }
0x9a: {  	s20 =	sld [smem:$0x3FDB];
	_ =	sdelay $0x1  }
0x9b: {  	s6 =	simm.s32 $_scs_section_size  }
0x9c: {  	s7 =	simm.s32 $_size__tile_overlayer_lowered;
	s8 =	simm.s32 $_tile_overlayer_lowered  }
0x9d: {  	s23 =	simm.s32 $0x1BFF;
	s22 =	sshll.u32 s8, $0x1;
	s5 =	sadd.s32 s6, s20  }
0x9e: {  	s9 =	simm.s32 $0x0;
	s21 =	sshll.u32 s7, $0x1;
	s7 =	sadd.s32 s22, s5  }
0x9f: {  	[timem:s9], [sflag:s23] =	dma.local [hbm:s7], s21  }
0xa0: {  	_ =	swait.ge [sflag:s23], s21  }
0xa1: {  	s6 =	ssub.s32 $0x0, s21;
	[sflag:s23] =	ssyncset.done $0x0  }
0xa2: {  	[sflag:s23] =	ssyncadd.s32 s6;
	_ =	sdelay $0x1  }
0xa3: {  	s24 =	simm.s32 $0x1B8B  }
0xa4: {  	_ =	swait.ge [sflag:s24], $0x1  }
0xa5: {  	[sflag:s24] =	ssyncset.done $0x0  }
0xa6: {  	s25 =	simm.s32 $0x1B8E;
	[sflag:s24] =	ssyncadd.s32 $0xFFFFFFFF  }
0xa7: {  	s26 =	simm.s32 $execute0_lowered;
	[smem:$0x3FD2] =	sst s25  }
0xa8: {  	s6 =	sshll.u32 s26, $0x1;
	_ =	strace $0x80000046;
	[dreg:$0x1] =	wrdreg $0xFFFFFFFF  }
0xa9: {  	s28 =	simm.s32 $_size_execute0_lowered;
	s5 =	sadd.s32 s5, s6;
	[dreg:$0x0] =	wrdreg $0x0  }
0xaa: {  	s6 =	sshll.u32 s28, $0x1;
	[dreg:$0x2] =	wrdreg s5  }
0xab: {  	[dreg:$0x3] =	wrdreg s6  }
0xac: {  	[dreg:$0x4] =	wrdreg $0xC0  }
0xad: {  	_ =	task [dreg:s9], $0x5FFFF  }
0xae: {  	[dreg:$0x1] =	wrdreg $0xFFFFFFFF  }
0xaf: {  	[dreg:$0x0] =	wrdreg $0x60  }
0xb0: {  	[dreg:$0x2] =	wrdreg s2  }
0xb1: {  	[dreg:$0x3] =	wrdreg s19  }
0xb2: {  	[dreg:$0x4] =	wrdreg s4  }
0xb3: {  	[dreg:$0x5] =	wrdreg $0x9  }
0xb4: {  	_ =	task.clear_ibuf [dreg:s9], $0x6FFFF;
	_ =	strace $0x90000046  }
0xb5: {  	s29 =	simm.s32 $0x9;
	_ =	strace $0x80000048  }
0xb6: {  	_ =	swait.ge [sflag:s29], $0x1  }
0xb7: {  	[sflag:s29] =	ssyncadd.s32 $0xFFFFFFFF  }
0xb8: {  	_ =	strace $0x90000048  }
0xb9: {  	_ =	sfence  }
0xba: {  	s30 =	sld [smem:$0x0];
	_ =	sdelay $0x2  }
0xbb: {  	s31 =	sshll.u32 s1, $0xD;
	s1 =	sshrl.u32 s1, $0x2  }
0xbc: {  	s3 =	sand.u32 $0x4000, s31;
	s1 =	sadd.s32 s1, s30  }
0xbd: {  	s0 =	sor.u32 s3, s0;
	s1 =	sshll.u32 s1, $0x11  }
0xbe: {  	s0 =	sor.u32 s1, s0  }
0xbf: {  	s0 =	sadd.s32 $0x8F2B, s0  }
0xc0: {  	[sflag:s0] =	ssyncadd.remote.s32 $0x1  }
0xc1: {  	_ =	sfence.sel $0xFFFF  }
0xc2: {  	[dreg:$0x0] =	wrdreg $0xFFFFFFFF;
	(pc) =	sbr.abs _section_cstart, $3  }
0xc3: {  	[dreg:$0x1] =	wrdreg $0xFFFFFFFF  }
0xc4: {  	_ =	task.clear_ibuf [dreg:s9], $0x2FFFF;
	_ =	strace $0x9FFFFFFF  }
0xc5: {  	(tm) =	ssettm $0x7FFFFFFF  }
tec
execute0_lowered:
.L_overlay_start_1:
0x0: {  	(tag) =	ssettag $0x1  }
0x1: {  	s0 =	srdreg.scid  }
0x2: {  	s1 =	stileid.u32;
	s6 =	rddreg [dreg:$0x0]  }
0x3: {  	s2 =	rddreg [dreg:$0x2];
	s14 =	simm.s32 $0x0;
	s11 =	simm.s32 $0x80  }
0x4: {  	s18 =	simm.s32 $0x200;
	s20 =	simm.s32 $0x280;
	s22 =	simm.s32 $0x300  }
0x5: {  	s24 =	simm.s32 $0x380;
	s26 =	simm.s32 $0x400;
	s29 =	simm.s32 $0x480  }
0x6: {  	s31 =	simm.s32 $0x500;
	s9 =	simm.s32 $0x600;
	s8 =	simm.s32 $0x680  }
0x7: {  	s12 =	simm.s32 $0x700;
	s15 =	simm.s32 $0x780;
	s19 =	simm.s32 $0x800  }
0x8: {  	s23 =	simm.s32 $0x880;
	s28 =	simm.s32 $0x900;
	s7 =	simm.s32 $0xA00  }
0x9: {  	s13 =	simm.s32 $0xA80;
	s21 =	simm.s32 $0xB00;
	s30 =	simm.s32 $0xB80  }
0xa: {  	s10 =	simm.s32 $0xC00;
	s0 =	sand.u32 $0x1, s0;
	s1 =	sshll.u32 s1, $0x1  }
0xb: {  	s25 =	simm.s32 $0x0;
	[smem:$0x7FF] =	sst s14;
	s1 =	sor.u32 s0, s1  }
0xc: {  	s0 =	ssub.s32 $0x2, s0;
	_ =	strace $0x80000047;
	[dreg:$0x6] =	wrdreg s25  }
0xd: {  	s3 =	sshll.u32 s1, $0x2;
	s4 =	sshrl.u32 s0, $0x1;
	s1 =	sshll.u32 s1, $0x5  }
0xe: {  	s5 =	sor.u32 $0x380, s3;
	s0 =	ssub.s32 s0, s4;
	s1 =	sadd.s32 s2, s1  }
0xf: {  	s3 =	smul.u32 $0x1900, s5;
	[dreg:$0x4] =	wrdreg s1;
	s0 =	smax.u32 s0, $0x1  }
0x10: {  	v0 =	vlaneseq.u32;
	s17 =	simm.s32 $0x2;
	s2 =	simm.s32 $0x980;
	[dreg:$0x5] =	wrdreg s0  }
0x11: {  	v0 =	vmul.u32 $0x10, v0;
	s0 =	simm.s32 $0x580;
	s6 =	sadd.s32 s6, s3;
	s3 =	simm.s32 $0x1  }
.LBB2_1:
0x12: {  	s1 =	rddreg [dreg:$0x1];
	s16 =	simm.s32 $0x3;
	s4 =	simm.s32 $0x2580  }
0x13: {  	[tilespmem:s4], [sflag:$0x3] =	stream.linear.gather [hbm4b:s1+s14], $0x80, $0x38;
	[tilespmem:$0x2700] =	vst v63  }
0x14: {  	_ =	swait.ge [sflag:s16], $0x80  }
0x15: {  	[sflag:s16] =	ssyncset.done $0x0  }
0x16: {  	v1 =	vor.u32 s14, v0;
	[sflag:s16] =	ssyncadd.s32 $0xFFFFFF80  }
0x17: {  	s1 =	simm.s32 $0x100;
	s4 =	simm.s32 $0x0;
	[tilespmem:s14+$0x0] =	vst v1  }
.LBB2_2:
0x18: {  	p0 =	seq.s32 s1, $0xC700  }
.Ltmp0:
0x19: {  	_ = 	snop;
	(pc) =	sbr.rel @!p0 .LBB2_2-.Ltmp0, $3  }
0x1a: {  	_ =	sdelay $0x1  }
0x1b: {  	v1 =	vor.u32 s1, v0;
	s1 =	sadd.s32 $0x100, s1;
	s4 =	sadd.s32 $0x10, s4  }
0x1c: {  	[tilespmem:s4+$0x0] =	vst v1  }
0x1d: {  	s4 =	simm.s32 $0x0;
	s1 =	simm.s32 $0xC80  }
0x1e: {  	[tilespmem:s1], [sflag:$0x1] =	stream.indirect.gather [hbm4b:s6+s11], $0x1, s4, s11, $0xb8;
	[tilespmem:$0x2700] =	vst v63  }
0x1f: {  	s14 =	simm.s32 $0xD00  }
0x20: {  	[tilespmem:s14], [sflag:$0x1] =	stream.indirect.gather [hbm4b:s6+s11], $0x1, s11, s11, $0xb8;
	[tilespmem:$0x2700] =	vst v63  }
0x21: {  	s16 =	simm.s32 $0x100;
	s25 =	simm.s32 $0xD80  }
0x22: {  	[tilespmem:s25], [sflag:$0x1] =	stream.indirect.gather [hbm4b:s6+s11], $0x1, s16, s11, $0xb8;
	[tilespmem:$0x2700] =	vst v63  }
0x23: {  	s14 =	simm.s32 $0x180;
	s16 =	simm.s32 $0xE00  }
0x24: {  	[tilespmem:s16], [sflag:$0x1] =	stream.indirect.gather [hbm4b:s6+s11], $0x1, s14, s11, $0xb8;
	[tilespmem:$0x2700] =	vst v63  }
0x25: {  	s25 =	simm.s32 $0xE80  }
0x26: {  	[tilespmem:s25], [sflag:$0x1] =	stream.indirect.gather [hbm4b:s6+s11], $0x1, s18, s11, $0xb8;
	[tilespmem:$0x2700] =	vst v63  }
0x27: {  	s4 =	simm.s32 $0xF00  }
0x28: {  	[tilespmem:s4], [sflag:$0x1] =	stream.indirect.gather [hbm4b:s6+s11], $0x1, s20, s11, $0xb8;
	[tilespmem:$0x2700] =	vst v63  }
0x29: {  	s14 =	simm.s32 $0xF80  }
0x2a: {  	[tilespmem:s14], [sflag:$0x1] =	stream.indirect.gather [hbm4b:s6+s11], $0x1, s22, s11, $0xb8;
	[tilespmem:$0x2700] =	vst v63  }
0x2b: {  	s16 =	simm.s32 $0x1000  }
0x2c: {  	[tilespmem:s16], [sflag:$0x1] =	stream.indirect.gather [hbm4b:s6+s11], $0x1, s24, s11, $0xb8;
	[tilespmem:$0x2700] =	vst v63  }
0x2d: {  	s25 =	simm.s32 $0x1080  }
0x2e: {  	[tilespmem:s25], [sflag:$0x1] =	stream.indirect.gather [hbm4b:s6+s11], $0x1, s26, s11, $0xb8;
	[tilespmem:$0x2700] =	vst v63  }
0x2f: {  	s4 =	simm.s32 $0x1100  }
0x30: {  	[tilespmem:s4], [sflag:$0x1] =	stream.indirect.gather [hbm4b:s6+s11], $0x1, s29, s11, $0xb8;
	[tilespmem:$0x2700] =	vst v63  }
0x31: {  	s14 =	simm.s32 $0x1180  }
0x32: {  	[tilespmem:s14], [sflag:$0x1] =	stream.indirect.gather [hbm4b:s6+s11], $0x1, s31, s11, $0xb8;
	[tilespmem:$0x2700] =	vst v63  }
0x33: {  	s16 =	simm.s32 $0x1200  }
0x34: {  	[tilespmem:s16], [sflag:$0x1] =	stream.indirect.gather [hbm4b:s6+s11], $0x1, s0, s11, $0xb8;
	[tilespmem:$0x2700] =	vst v63  }
0x35: {  	s25 =	simm.s32 $0x1280  }
0x36: {  	[tilespmem:s25], [sflag:$0x1] =	stream.indirect.gather [hbm4b:s6+s11], $0x1, s9, s11, $0xb8;
	[tilespmem:$0x2700] =	vst v63  }
0x37: {  	s4 =	simm.s32 $0x1300  }
0x38: {  	[tilespmem:s4], [sflag:$0x1] =	stream.indirect.gather [hbm4b:s6+s11], $0x1, s8, s11, $0xb8;
	[tilespmem:$0x2700] =	vst v63  }
0x39: {  	s14 =	simm.s32 $0x1380  }
0x3a: {  	[tilespmem:s14], [sflag:$0x1] =	stream.indirect.gather [hbm4b:s6+s11], $0x1, s12, s11, $0xb8;
	[tilespmem:$0x2700] =	vst v63  }
0x3b: {  	s16 =	simm.s32 $0x1400  }
0x3c: {  	[tilespmem:s16], [sflag:$0x1] =	stream.indirect.gather [hbm4b:s6+s11], $0x1, s15, s11, $0xb8;
	[tilespmem:$0x2700] =	vst v63  }
0x3d: {  	s25 =	simm.s32 $0x1480  }
0x3e: {  	[tilespmem:s25], [sflag:$0x1] =	stream.indirect.gather [hbm4b:s6+s11], $0x1, s19, s11, $0xb8;
	[tilespmem:$0x2700] =	vst v63  }
0x3f: {  	s4 =	simm.s32 $0x1500  }
0x40: {  	[tilespmem:s4], [sflag:$0x1] =	stream.indirect.gather [hbm4b:s6+s11], $0x1, s23, s11, $0xb8;
	[tilespmem:$0x2700] =	vst v63  }
0x41: {  	s14 =	simm.s32 $0x1580  }
0x42: {  	[tilespmem:s14], [sflag:$0x1] =	stream.indirect.gather [hbm4b:s6+s11], $0x1, s28, s11, $0xb8;
	[tilespmem:$0x2700] =	vst v63  }
0x43: {  	s16 =	simm.s32 $0x1600  }
0x44: {  	[tilespmem:s16], [sflag:$0x1] =	stream.indirect.gather [hbm4b:s6+s11], $0x1, s2, s11, $0xb8;
	[tilespmem:$0x2700] =	vst v63  }
0x45: {  	s25 =	simm.s32 $0x1680  }
0x46: {  	[tilespmem:s25], [sflag:$0x1] =	stream.indirect.gather [hbm4b:s6+s11], $0x1, s7, s11, $0xb8;
	[tilespmem:$0x2700] =	vst v63  }
0x47: {  	s4 =	simm.s32 $0x1700  }
0x48: {  	[tilespmem:s4], [sflag:$0x1] =	stream.indirect.gather [hbm4b:s6+s11], $0x1, s13, s11, $0xb8;
	[tilespmem:$0x2700] =	vst v63  }
0x49: {  	s14 =	simm.s32 $0x1780  }
0x4a: {  	[tilespmem:s14], [sflag:$0x1] =	stream.indirect.gather [hbm4b:s6+s11], $0x1, s21, s11, $0xb8;
	[tilespmem:$0x2700] =	vst v63  }
0x4b: {  	p2 =	por $0x1, $0x1;
	s16 =	simm.s32 $0x1800  }
0x4c: {  	[tilespmem:s16], [sflag:$0x1] =	stream.indirect.gather [hbm4b:s6+s11], $0x1, s30, s11, $0xb8;
	[tilespmem:$0x2700] =	vst v63  }
0x4d: {  	p1 =	por $0x0, $0x0;
	s25 =	simm.s32 $0x1880;
	s4 =	simm.s32 $0x0  }
0x4e: {  	[tilespmem:s25], [sflag:$0x1] =	stream.indirect.gather [hbm4b:s6+s11], $0x1, s10, s11, $0xb8;
	[tilespmem:$0x2700] =	vst v63  }
.LBB2_4:
0x4f: {  	s25 =	sshllo.u32 s4, $0x1  }
0x50: {  	s1 =	sor.u32 s5, s25  }
0x51: {  	s1 =	smul.u32 $0x1900, s1  }
0x52: {  	s14 =	rddreg [dreg:$0x0]  }
0x53: {  	s16 =	simm.s32 $0x0;
	s1 =	sadd.s32 s14, s1;
	s14 =	simm.s32 $0x1900  }
0x54: {  	[tilespmem:s14], [sflag:$0x2] =	stream.indirect.gather [hbm4b:s1+s11], $0x1, s16, s11, $0xb8;
	[tilespmem:$0x2700] =	vst v63  }
0x55: {  	s16 =	simm.s32 $0x1980  }
0x56: {  	[tilespmem:s16], [sflag:$0x2] =	stream.indirect.gather [hbm4b:s1+s11], $0x1, s11, s11, $0xb8;
	[tilespmem:$0x2700] =	vst v63  }
0x57: {  	s14 =	simm.s32 $0x100;
	s16 =	simm.s32 $0x1A00  }
0x58: {  	[tilespmem:s16], [sflag:$0x2] =	stream.indirect.gather [hbm4b:s1+s11], $0x1, s14, s11, $0xb8;
	[tilespmem:$0x2700] =	vst v63  }
0x59: {  	s14 =	simm.s32 $0x180;
	s16 =	simm.s32 $0x1A80  }
0x5a: {  	[tilespmem:s16], [sflag:$0x2] =	stream.indirect.gather [hbm4b:s1+s11], $0x1, s14, s11, $0xb8;
	[tilespmem:$0x2700] =	vst v63  }
0x5b: {  	s16 =	simm.s32 $0x1B00  }
0x5c: {  	[tilespmem:s16], [sflag:$0x2] =	stream.indirect.gather [hbm4b:s1+s11], $0x1, s18, s11, $0xb8;
	[tilespmem:$0x2700] =	vst v63  }
0x5d: {  	s16 =	simm.s32 $0x1B80  }
0x5e: {  	[tilespmem:s16], [sflag:$0x2] =	stream.indirect.gather [hbm4b:s1+s11], $0x1, s20, s11, $0xb8;
	[tilespmem:$0x2700] =	vst v63  }
0x5f: {  	s16 =	simm.s32 $0x1C00  }
0x60: {  	[tilespmem:s16], [sflag:$0x2] =	stream.indirect.gather [hbm4b:s1+s11], $0x1, s22, s11, $0xb8;
	[tilespmem:$0x2700] =	vst v63  }
0x61: {  	s16 =	simm.s32 $0x1C80  }
0x62: {  	[tilespmem:s16], [sflag:$0x2] =	stream.indirect.gather [hbm4b:s1+s11], $0x1, s24, s11, $0xb8;
	[tilespmem:$0x2700] =	vst v63  }
0x63: {  	s16 =	simm.s32 $0x1D00  }
0x64: {  	[tilespmem:s16], [sflag:$0x2] =	stream.indirect.gather [hbm4b:s1+s11], $0x1, s26, s11, $0xb8;
	[tilespmem:$0x2700] =	vst v63  }
0x65: {  	s16 =	simm.s32 $0x1D80  }
0x66: {  	[tilespmem:s16], [sflag:$0x2] =	stream.indirect.gather [hbm4b:s1+s11], $0x1, s29, s11, $0xb8;
	[tilespmem:$0x2700] =	vst v63  }
0x67: {  	s16 =	simm.s32 $0x1E00  }
0x68: {  	[tilespmem:s16], [sflag:$0x2] =	stream.indirect.gather [hbm4b:s1+s11], $0x1, s31, s11, $0xb8;
	[tilespmem:$0x2700] =	vst v63  }
0x69: {  	s16 =	simm.s32 $0x1E80  }
0x6a: {  	[tilespmem:s16], [sflag:$0x2] =	stream.indirect.gather [hbm4b:s1+s11], $0x1, s0, s11, $0xb8;
	[tilespmem:$0x2700] =	vst v63  }
0x6b: {  	s16 =	simm.s32 $0x1F00  }
0x6c: {  	[tilespmem:s16], [sflag:$0x2] =	stream.indirect.gather [hbm4b:s1+s11], $0x1, s9, s11, $0xb8;
	[tilespmem:$0x2700] =	vst v63  }
0x6d: {  	s16 =	simm.s32 $0x1F80  }
0x6e: {  	[tilespmem:s16], [sflag:$0x2] =	stream.indirect.gather [hbm4b:s1+s11], $0x1, s8, s11, $0xb8;
	[tilespmem:$0x2700] =	vst v63  }
0x6f: {  	s16 =	simm.s32 $0x2000  }
0x70: {  	[tilespmem:s16], [sflag:$0x2] =	stream.indirect.gather [hbm4b:s1+s11], $0x1, s12, s11, $0xb8;
	[tilespmem:$0x2700] =	vst v63  }
0x71: {  	s16 =	simm.s32 $0x2080  }
0x72: {  	[tilespmem:s16], [sflag:$0x2] =	stream.indirect.gather [hbm4b:s1+s11], $0x1, s15, s11, $0xb8;
	[tilespmem:$0x2700] =	vst v63  }
0x73: {  	s16 =	simm.s32 $0x2100  }
0x74: {  	[tilespmem:s16], [sflag:$0x2] =	stream.indirect.gather [hbm4b:s1+s11], $0x1, s19, s11, $0xb8;
	[tilespmem:$0x2700] =	vst v63  }
0x75: {  	s16 =	simm.s32 $0x2180  }
0x76: {  	[tilespmem:s16], [sflag:$0x2] =	stream.indirect.gather [hbm4b:s1+s11], $0x1, s23, s11, $0xb8;
	[tilespmem:$0x2700] =	vst v63  }
0x77: {  	s16 =	simm.s32 $0x2200  }
0x78: {  	[tilespmem:s16], [sflag:$0x2] =	stream.indirect.gather [hbm4b:s1+s11], $0x1, s28, s11, $0xb8;
	[tilespmem:$0x2700] =	vst v63  }
0x79: {  	s16 =	simm.s32 $0x2280  }
0x7a: {  	[tilespmem:s16], [sflag:$0x2] =	stream.indirect.gather [hbm4b:s1+s11], $0x1, s2, s11, $0xb8;
	[tilespmem:$0x2700] =	vst v63  }
0x7b: {  	s16 =	simm.s32 $0x2300  }
0x7c: {  	[tilespmem:s16], [sflag:$0x2] =	stream.indirect.gather [hbm4b:s1+s11], $0x1, s7, s11, $0xb8;
	[tilespmem:$0x2700] =	vst v63  }
0x7d: {  	s16 =	simm.s32 $0x2380  }
0x7e: {  	[tilespmem:s16], [sflag:$0x2] =	stream.indirect.gather [hbm4b:s1+s11], $0x1, s13, s11, $0xb8;
	[tilespmem:$0x2700] =	vst v63  }
0x7f: {  	s16 =	simm.s32 $0x2400  }
0x80: {  	[tilespmem:s16], [sflag:$0x2] =	stream.indirect.gather [hbm4b:s1+s11], $0x1, s21, s11, $0xb8;
	[tilespmem:$0x2700] =	vst v63  }
0x81: {  	s16 =	simm.s32 $0x2480  }
0x82: {  	[tilespmem:s16], [sflag:$0x2] =	stream.indirect.gather [hbm4b:s1+s11], $0x1, s30, s11, $0xb8;
	[tilespmem:$0x2700] =	vst v63  }
0x83: {  	s16 =	simm.s32 $0x2500  }
0x84: {  	[tilespmem:s16], [sflag:$0x2] =	stream.indirect.gather [hbm4b:s1+s11], $0x1, s10, s11, $0xb8;
	[tilespmem:$0x2700] =	vst v63  }
0x85: {  	_ =	swait.ge [sflag:s3], $0x80  }
0x86: {  	[sflag:s3] =	ssyncset.done $0x0  }
0x87: {  	[sflag:s3] =	ssyncadd.s32 $0xFFFFFF80  }
0x88: {  	_ =	swait.ge [sflag:s3], $0x80  }
0x89: {  	[sflag:s3] =	ssyncset.done $0x0  }
0x8a: {  	[sflag:s3] =	ssyncadd.s32 $0xFFFFFF80  }
0x8b: {  	_ =	swait.ge [sflag:s3], $0x80  }
0x8c: {  	[sflag:s3] =	ssyncset.done $0x0  }
0x8d: {  	[sflag:s3] =	ssyncadd.s32 $0xFFFFFF80  }
0x8e: {  	_ =	swait.ge [sflag:s3], $0x80  }
0x8f: {  	[sflag:s3] =	ssyncset.done $0x0  }
0x90: {  	[sflag:s3] =	ssyncadd.s32 $0xFFFFFF80  }
0x91: {  	_ =	swait.ge [sflag:s3], $0x80  }
0x92: {  	[sflag:s3] =	ssyncset.done $0x0  }
0x93: {  	[sflag:s3] =	ssyncadd.s32 $0xFFFFFF80  }
0x94: {  	_ =	swait.ge [sflag:s3], $0x80  }
0x95: {  	[sflag:s3] =	ssyncset.done $0x0  }
0x96: {  	[sflag:s3] =	ssyncadd.s32 $0xFFFFFF80  }
0x97: {  	_ =	swait.ge [sflag:s3], $0x80  }
0x98: {  	[sflag:s3] =	ssyncset.done $0x0  }
0x99: {  	[sflag:s3] =	ssyncadd.s32 $0xFFFFFF80  }
0x9a: {  	_ =	swait.ge [sflag:s3], $0x80  }
0x9b: {  	[sflag:s3] =	ssyncset.done $0x0  }
0x9c: {  	[sflag:s3] =	ssyncadd.s32 $0xFFFFFF80  }
0x9d: {  	_ =	swait.ge [sflag:s3], $0x80  }
0x9e: {  	[sflag:s3] =	ssyncset.done $0x0  }
0x9f: {  	[sflag:s3] =	ssyncadd.s32 $0xFFFFFF80  }
0xa0: {  	_ =	swait.ge [sflag:s3], $0x80  }
0xa1: {  	[sflag:s3] =	ssyncset.done $0x0  }
0xa2: {  	[sflag:s3] =	ssyncadd.s32 $0xFFFFFF80  }
0xa3: {  	_ =	swait.ge [sflag:s3], $0x80  }
0xa4: {  	[sflag:s3] =	ssyncset.done $0x0  }
0xa5: {  	[sflag:s3] =	ssyncadd.s32 $0xFFFFFF80  }
0xa6: {  	_ =	swait.ge [sflag:s3], $0x80  }
0xa7: {  	[sflag:s3] =	ssyncset.done $0x0  }
0xa8: {  	[sflag:s3] =	ssyncadd.s32 $0xFFFFFF80  }
0xa9: {  	_ =	swait.ge [sflag:s3], $0x80  }
0xaa: {  	[sflag:s3] =	ssyncset.done $0x0  }
0xab: {  	[sflag:s3] =	ssyncadd.s32 $0xFFFFFF80  }
0xac: {  	_ =	swait.ge [sflag:s3], $0x80  }
0xad: {  	[sflag:s3] =	ssyncset.done $0x0  }
0xae: {  	[sflag:s3] =	ssyncadd.s32 $0xFFFFFF80  }
0xaf: {  	_ =	swait.ge [sflag:s3], $0x80  }
0xb0: {  	[sflag:s3] =	ssyncset.done $0x0  }
0xb1: {  	[sflag:s3] =	ssyncadd.s32 $0xFFFFFF80  }
0xb2: {  	_ =	swait.ge [sflag:s3], $0x80  }
0xb3: {  	[sflag:s3] =	ssyncset.done $0x0  }
0xb4: {  	[sflag:s3] =	ssyncadd.s32 $0xFFFFFF80  }
0xb5: {  	_ =	swait.ge [sflag:s3], $0x80  }
0xb6: {  	[sflag:s3] =	ssyncset.done $0x0  }
0xb7: {  	[sflag:s3] =	ssyncadd.s32 $0xFFFFFF80  }
0xb8: {  	_ =	swait.ge [sflag:s3], $0x80  }
0xb9: {  	[sflag:s3] =	ssyncset.done $0x0  }
0xba: {  	[sflag:s3] =	ssyncadd.s32 $0xFFFFFF80  }
0xbb: {  	_ =	swait.ge [sflag:s3], $0x80  }
0xbc: {  	[sflag:s3] =	ssyncset.done $0x0  }
0xbd: {  	[sflag:s3] =	ssyncadd.s32 $0xFFFFFF80  }
0xbe: {  	_ =	swait.ge [sflag:s3], $0x80  }
0xbf: {  	[sflag:s3] =	ssyncset.done $0x0  }
0xc0: {  	[sflag:s3] =	ssyncadd.s32 $0xFFFFFF80  }
0xc1: {  	_ =	swait.ge [sflag:s3], $0x80  }
0xc2: {  	[sflag:s3] =	ssyncset.done $0x0  }
0xc3: {  	[sflag:s3] =	ssyncadd.s32 $0xFFFFFF80  }
0xc4: {  	_ =	swait.ge [sflag:s3], $0x80  }
0xc5: {  	[sflag:s3] =	ssyncset.done $0x0  }
0xc6: {  	[sflag:s3] =	ssyncadd.s32 $0xFFFFFF80  }
0xc7: {  	_ =	swait.ge [sflag:s3], $0x80  }
0xc8: {  	[sflag:s3] =	ssyncset.done $0x0  }
0xc9: {  	[sflag:s3] =	ssyncadd.s32 $0xFFFFFF80  }
0xca: {  	_ =	swait.ge [sflag:s3], $0x80  }
0xcb: {  	[sflag:s3] =	ssyncset.done $0x0  }
0xcc: {  	[sflag:s3] =	ssyncadd.s32 $0xFFFFFF80  }
0xcd: {  	_ =	swait.ge [sflag:s3], $0x80  }
0xce: {  	[sflag:s3] =	ssyncset.done $0x0  }
0xcf: {  	[sflag:s3] =	ssyncadd.s32 $0xFFFFFF80  }
0xd0: {  	s16 =	simm.s32 $0x0;
	v1 =	vld [tilespmem:$0x2580]  }
0xd1: {  	p0 =	por p2, p2;
	v2 =	vimm.f32 $0.0e+00;
	s14 =	simm.s32 $0x100;
	s1 =	sshll.u32 s4, $0x1;
	v3 =	vld [tilespmem:s16+$0xC80]  }
.LBB2_5:
0xd2: {  	p2 =	sne.s32 s14, $0x3100  }
.Ltmp1:
0xd3: {  	_ = 	snop;
	(pc) =	sbr.rel @p2 .LBB2_5-.Ltmp1, $3  }
0xd4: {  	_ =	sdelay $0x1  }
0xd5: {  	s16 =	sshra.s32 s14, $0x2;
	s14 =	sadd.s32 $0x100, s14;
	v2 =	vadd.f32 v3, v2  }
0xd6: {  	v3 =	vld [tilespmem:s16+$0xC80]  }
0xd7: {  	_ =	sdelay $0x3  }
0xd8: {  	v1 =	vsub.f32 $0.0e+00, v1;
	v2 =	vadd.f32 v3, v2;
	_ =	sdelay $0x1  }
0xd9: {  	s4 =	sshll.u32 s4, $0x7;
	v1 =	vmul.f32 v2, v1  }
0xda: {  	s4 =	sand.u32 $0x3FFFFF80, s4  }
0xdb: {  	[tilespmem:s4+$0x2600] =	vst v1  }
0xdc: {  	s16 =	simm.s32 $0x10;
	v1 =	vld [tilespmem:$0x2590]  }
0xdd: {  	s14 =	simm.s32 $0x140;
	v2 =	vimm.f32 $0.0e+00;
	v3 =	vld [tilespmem:s16+$0xC80]  }
.LBB2_7:
0xde: {  	p2 =	sne.s32 s14, $0x3140  }
.Ltmp2:
0xdf: {  	_ = 	snop;
	(pc) =	sbr.rel @p2 .LBB2_7-.Ltmp2, $3  }
0xe0: {  	_ =	sdelay $0x1  }
0xe1: {  	s16 =	sshra.s32 s14, $0x2;
	s14 =	sadd.s32 $0x100, s14;
	v2 =	vadd.f32 v3, v2  }
0xe2: {  	v3 =	vld [tilespmem:s16+$0xC80]  }
0xe3: {  	_ =	sdelay $0x3  }
0xe4: {  	v1 =	vsub.f32 $0.0e+00, v1;
	v2 =	vadd.f32 v3, v2;
	_ =	sdelay $0x1  }
0xe5: {  	v1 =	vmul.f32 v2, v1;
	_ =	sdelay $0x1  }
0xe6: {  	[tilespmem:s4+$0x2610] =	vst v1  }
0xe7: {  	s16 =	simm.s32 $0x20;
	v1 =	vld [tilespmem:$0x25A0]  }
0xe8: {  	s14 =	simm.s32 $0x180;
	v2 =	vimm.f32 $0.0e+00;
	v3 =	vld [tilespmem:s16+$0xC80]  }
.LBB2_9:
0xe9: {  	p2 =	sne.s32 s14, $0x3180  }
.Ltmp3:
0xea: {  	_ = 	snop;
	(pc) =	sbr.rel @p2 .LBB2_9-.Ltmp3, $3  }
0xeb: {  	_ =	sdelay $0x1  }
0xec: {  	s16 =	sshra.s32 s14, $0x2;
	s14 =	sadd.s32 $0x100, s14;
	v2 =	vadd.f32 v3, v2  }
0xed: {  	v3 =	vld [tilespmem:s16+$0xC80]  }
0xee: {  	_ =	sdelay $0x3  }
0xef: {  	v1 =	vsub.f32 $0.0e+00, v1;
	v2 =	vadd.f32 v3, v2;
	_ =	sdelay $0x1  }
0xf0: {  	v1 =	vmul.f32 v2, v1;
	_ =	sdelay $0x1  }
0xf1: {  	[tilespmem:s4+$0x2620] =	vst v1  }
0xf2: {  	s16 =	simm.s32 $0x30;
	v1 =	vld [tilespmem:$0x25B0]  }
0xf3: {  	s14 =	simm.s32 $0x1C0;
	v2 =	vimm.f32 $0.0e+00;
	v3 =	vld [tilespmem:s16+$0xC80]  }
.LBB2_11:
0xf4: {  	p2 =	sne.s32 s14, $0x31C0  }
.Ltmp4:
0xf5: {  	_ = 	snop;
	(pc) =	sbr.rel @p2 .LBB2_11-.Ltmp4, $3  }
0xf6: {  	_ =	sdelay $0x1  }
0xf7: {  	s16 =	sshra.s32 s14, $0x2;
	s14 =	sadd.s32 $0x100, s14;
	v2 =	vadd.f32 v3, v2  }
0xf8: {  	v3 =	vld [tilespmem:s16+$0xC80]  }
0xf9: {  	_ =	sdelay $0x3  }
.Ltmp5:
0xfa: {  	v1 =	vsub.f32 $0.0e+00, v1;
	v2 =	vadd.f32 v3, v2;
	(pc) =	sbr.rel @p1 .LBB2_14-.Ltmp5, $3  }
0xfb: {  	_ = 	snop  }
0xfc: {  	v1 =	vmul.f32 v2, v1;
	_ =	sdelay $0x1  }
0xfd: {  	[tilespmem:s4+$0x2630] =	vst v1  }
0xfe: {  	s1 =	sor.u32 s5, s1  }
0xff: {  	s1 =	smul.u32 $0xC800, s1;
	_ =	sdelay $0x1  }
0x100: {  	s4 =	rddreg [dreg:$0x0];
	s1 =	sshrl.u32 s1, $0x3  }
0x101: {  	s1 =	sadd.s32 s4, s1  }
0x102: {  	s16 =	simm.s32 $0x0;
	s14 =	simm.s32 $0xC80;
	s1 =	sadd.s32 $0x3200, s1  }
0x103: {  	[tilespmem:s14], [sflag:$0x1] =	stream.indirect.gather [hbm4b:s1+s11], $0x1, s16, s11, $0xb8;
	[tilespmem:$0x2700] =	vst v63  }
0x104: {  	s16 =	simm.s32 $0xD00  }
0x105: {  	[tilespmem:s16], [sflag:$0x1] =	stream.indirect.gather [hbm4b:s1+s11], $0x1, s11, s11, $0xb8;
	[tilespmem:$0x2700] =	vst v63  }
0x106: {  	s14 =	simm.s32 $0x100;
	s16 =	simm.s32 $0xD80  }
0x107: {  	[tilespmem:s16], [sflag:$0x1] =	stream.indirect.gather [hbm4b:s1+s11], $0x1, s14, s11, $0xb8;
	[tilespmem:$0x2700] =	vst v63  }
0x108: {  	s14 =	simm.s32 $0x180;
	s16 =	simm.s32 $0xE00  }
0x109: {  	[tilespmem:s16], [sflag:$0x1] =	stream.indirect.gather [hbm4b:s1+s11], $0x1, s14, s11, $0xb8;
	[tilespmem:$0x2700] =	vst v63  }
0x10a: {  	s16 =	simm.s32 $0xE80  }
0x10b: {  	[tilespmem:s16], [sflag:$0x1] =	stream.indirect.gather [hbm4b:s1+s11], $0x1, s18, s11, $0xb8;
	[tilespmem:$0x2700] =	vst v63  }
0x10c: {  	s14 =	simm.s32 $0xF00  }
0x10d: {  	[tilespmem:s14], [sflag:$0x1] =	stream.indirect.gather [hbm4b:s1+s11], $0x1, s20, s11, $0xb8;
	[tilespmem:$0x2700] =	vst v63  }
0x10e: {  	s16 =	simm.s32 $0xF80  }
0x10f: {  	[tilespmem:s16], [sflag:$0x1] =	stream.indirect.gather [hbm4b:s1+s11], $0x1, s22, s11, $0xb8;
	[tilespmem:$0x2700] =	vst v63  }
0x110: {  	s14 =	simm.s32 $0x1000  }
0x111: {  	[tilespmem:s14], [sflag:$0x1] =	stream.indirect.gather [hbm4b:s1+s11], $0x1, s24, s11, $0xb8;
	[tilespmem:$0x2700] =	vst v63  }
0x112: {  	s16 =	simm.s32 $0x1080  }
0x113: {  	[tilespmem:s16], [sflag:$0x1] =	stream.indirect.gather [hbm4b:s1+s11], $0x1, s26, s11, $0xb8;
	[tilespmem:$0x2700] =	vst v63  }
0x114: {  	s14 =	simm.s32 $0x1100  }
0x115: {  	[tilespmem:s14], [sflag:$0x1] =	stream.indirect.gather [hbm4b:s1+s11], $0x1, s29, s11, $0xb8;
	[tilespmem:$0x2700] =	vst v63  }
0x116: {  	s16 =	simm.s32 $0x1180  }
0x117: {  	[tilespmem:s16], [sflag:$0x1] =	stream.indirect.gather [hbm4b:s1+s11], $0x1, s31, s11, $0xb8;
	[tilespmem:$0x2700] =	vst v63  }
0x118: {  	s14 =	simm.s32 $0x1200  }
0x119: {  	[tilespmem:s14], [sflag:$0x1] =	stream.indirect.gather [hbm4b:s1+s11], $0x1, s0, s11, $0xb8;
	[tilespmem:$0x2700] =	vst v63  }
0x11a: {  	s16 =	simm.s32 $0x1280  }
0x11b: {  	[tilespmem:s16], [sflag:$0x1] =	stream.indirect.gather [hbm4b:s1+s11], $0x1, s9, s11, $0xb8;
	[tilespmem:$0x2700] =	vst v63  }
0x11c: {  	s14 =	simm.s32 $0x1300  }
0x11d: {  	[tilespmem:s14], [sflag:$0x1] =	stream.indirect.gather [hbm4b:s1+s11], $0x1, s8, s11, $0xb8;
	[tilespmem:$0x2700] =	vst v63  }
0x11e: {  	s16 =	simm.s32 $0x1380  }
0x11f: {  	[tilespmem:s16], [sflag:$0x1] =	stream.indirect.gather [hbm4b:s1+s11], $0x1, s12, s11, $0xb8;
	[tilespmem:$0x2700] =	vst v63  }
0x120: {  	s14 =	simm.s32 $0x1400  }
0x121: {  	[tilespmem:s14], [sflag:$0x1] =	stream.indirect.gather [hbm4b:s1+s11], $0x1, s15, s11, $0xb8;
	[tilespmem:$0x2700] =	vst v63  }
0x122: {  	s16 =	simm.s32 $0x1480  }
0x123: {  	[tilespmem:s16], [sflag:$0x1] =	stream.indirect.gather [hbm4b:s1+s11], $0x1, s19, s11, $0xb8;
	[tilespmem:$0x2700] =	vst v63  }
0x124: {  	s14 =	simm.s32 $0x1500  }
0x125: {  	[tilespmem:s14], [sflag:$0x1] =	stream.indirect.gather [hbm4b:s1+s11], $0x1, s23, s11, $0xb8;
	[tilespmem:$0x2700] =	vst v63  }
0x126: {  	s16 =	simm.s32 $0x1580  }
0x127: {  	[tilespmem:s16], [sflag:$0x1] =	stream.indirect.gather [hbm4b:s1+s11], $0x1, s28, s11, $0xb8;
	[tilespmem:$0x2700] =	vst v63  }
0x128: {  	s14 =	simm.s32 $0x1600  }
0x129: {  	[tilespmem:s14], [sflag:$0x1] =	stream.indirect.gather [hbm4b:s1+s11], $0x1, s2, s11, $0xb8;
	[tilespmem:$0x2700] =	vst v63  }
0x12a: {  	s16 =	simm.s32 $0x1680  }
0x12b: {  	[tilespmem:s16], [sflag:$0x1] =	stream.indirect.gather [hbm4b:s1+s11], $0x1, s7, s11, $0xb8;
	[tilespmem:$0x2700] =	vst v63  }
0x12c: {  	s14 =	simm.s32 $0x1700  }
0x12d: {  	[tilespmem:s14], [sflag:$0x1] =	stream.indirect.gather [hbm4b:s1+s11], $0x1, s13, s11, $0xb8;
	[tilespmem:$0x2700] =	vst v63  }
0x12e: {  	s16 =	simm.s32 $0x1780  }
0x12f: {  	[tilespmem:s16], [sflag:$0x1] =	stream.indirect.gather [hbm4b:s1+s11], $0x1, s21, s11, $0xb8;
	[tilespmem:$0x2700] =	vst v63  }
0x130: {  	s14 =	simm.s32 $0x1800  }
0x131: {  	[tilespmem:s14], [sflag:$0x1] =	stream.indirect.gather [hbm4b:s1+s11], $0x1, s30, s11, $0xb8;
	[tilespmem:$0x2700] =	vst v63  }
0x132: {  	s16 =	simm.s32 $0x1880  }
0x133: {  	[tilespmem:s16], [sflag:$0x1] =	stream.indirect.gather [hbm4b:s1+s11], $0x1, s10, s11, $0xb8;
	[tilespmem:$0x2700] =	vst v63  }
.LBB2_14:
0x134: {  	_ =	swait.ge [sflag:s17], $0x80  }
0x135: {  	[sflag:s17] =	ssyncset.done $0x0  }
0x136: {  	[sflag:s17] =	ssyncadd.s32 $0xFFFFFF80  }
0x137: {  	_ =	swait.ge [sflag:s17], $0x80  }
0x138: {  	[sflag:s17] =	ssyncset.done $0x0  }
0x139: {  	[sflag:s17] =	ssyncadd.s32 $0xFFFFFF80  }
0x13a: {  	_ =	swait.ge [sflag:s17], $0x80  }
0x13b: {  	[sflag:s17] =	ssyncset.done $0x0  }
0x13c: {  	[sflag:s17] =	ssyncadd.s32 $0xFFFFFF80  }
0x13d: {  	_ =	swait.ge [sflag:s17], $0x80  }
0x13e: {  	[sflag:s17] =	ssyncset.done $0x0  }
0x13f: {  	[sflag:s17] =	ssyncadd.s32 $0xFFFFFF80  }
0x140: {  	_ =	swait.ge [sflag:s17], $0x80  }
0x141: {  	[sflag:s17] =	ssyncset.done $0x0  }
0x142: {  	[sflag:s17] =	ssyncadd.s32 $0xFFFFFF80  }
0x143: {  	_ =	swait.ge [sflag:s17], $0x80  }
0x144: {  	[sflag:s17] =	ssyncset.done $0x0  }
0x145: {  	[sflag:s17] =	ssyncadd.s32 $0xFFFFFF80  }
0x146: {  	_ =	swait.ge [sflag:s17], $0x80  }
0x147: {  	[sflag:s17] =	ssyncset.done $0x0  }
0x148: {  	[sflag:s17] =	ssyncadd.s32 $0xFFFFFF80  }
0x149: {  	_ =	swait.ge [sflag:s17], $0x80  }
0x14a: {  	[sflag:s17] =	ssyncset.done $0x0  }
0x14b: {  	[sflag:s17] =	ssyncadd.s32 $0xFFFFFF80  }
0x14c: {  	_ =	swait.ge [sflag:s17], $0x80  }
0x14d: {  	[sflag:s17] =	ssyncset.done $0x0  }
0x14e: {  	[sflag:s17] =	ssyncadd.s32 $0xFFFFFF80  }
0x14f: {  	_ =	swait.ge [sflag:s17], $0x80  }
0x150: {  	[sflag:s17] =	ssyncset.done $0x0  }
0x151: {  	[sflag:s17] =	ssyncadd.s32 $0xFFFFFF80  }
0x152: {  	_ =	swait.ge [sflag:s17], $0x80  }
0x153: {  	[sflag:s17] =	ssyncset.done $0x0  }
0x154: {  	[sflag:s17] =	ssyncadd.s32 $0xFFFFFF80  }
0x155: {  	_ =	swait.ge [sflag:s17], $0x80  }
0x156: {  	[sflag:s17] =	ssyncset.done $0x0  }
0x157: {  	[sflag:s17] =	ssyncadd.s32 $0xFFFFFF80  }
0x158: {  	_ =	swait.ge [sflag:s17], $0x80  }
0x159: {  	[sflag:s17] =	ssyncset.done $0x0  }
0x15a: {  	[sflag:s17] =	ssyncadd.s32 $0xFFFFFF80  }
0x15b: {  	_ =	swait.ge [sflag:s17], $0x80  }
0x15c: {  	[sflag:s17] =	ssyncset.done $0x0  }
0x15d: {  	[sflag:s17] =	ssyncadd.s32 $0xFFFFFF80  }
0x15e: {  	_ =	swait.ge [sflag:s17], $0x80  }
0x15f: {  	[sflag:s17] =	ssyncset.done $0x0  }
0x160: {  	[sflag:s17] =	ssyncadd.s32 $0xFFFFFF80  }
0x161: {  	_ =	swait.ge [sflag:s17], $0x80  }
0x162: {  	[sflag:s17] =	ssyncset.done $0x0  }
0x163: {  	[sflag:s17] =	ssyncadd.s32 $0xFFFFFF80  }
0x164: {  	_ =	swait.ge [sflag:s17], $0x80  }
0x165: {  	[sflag:s17] =	ssyncset.done $0x0  }
0x166: {  	[sflag:s17] =	ssyncadd.s32 $0xFFFFFF80  }
0x167: {  	_ =	swait.ge [sflag:s17], $0x80  }
0x168: {  	[sflag:s17] =	ssyncset.done $0x0  }
0x169: {  	[sflag:s17] =	ssyncadd.s32 $0xFFFFFF80  }
0x16a: {  	_ =	swait.ge [sflag:s17], $0x80  }
0x16b: {  	[sflag:s17] =	ssyncset.done $0x0  }
0x16c: {  	[sflag:s17] =	ssyncadd.s32 $0xFFFFFF80  }
0x16d: {  	_ =	swait.ge [sflag:s17], $0x80  }
0x16e: {  	[sflag:s17] =	ssyncset.done $0x0  }
0x16f: {  	[sflag:s17] =	ssyncadd.s32 $0xFFFFFF80  }
0x170: {  	_ =	swait.ge [sflag:s17], $0x80  }
0x171: {  	[sflag:s17] =	ssyncset.done $0x0  }
0x172: {  	[sflag:s17] =	ssyncadd.s32 $0xFFFFFF80  }
0x173: {  	_ =	swait.ge [sflag:s17], $0x80  }
0x174: {  	[sflag:s17] =	ssyncset.done $0x0  }
0x175: {  	[sflag:s17] =	ssyncadd.s32 $0xFFFFFF80  }
0x176: {  	_ =	swait.ge [sflag:s17], $0x80  }
0x177: {  	[sflag:s17] =	ssyncset.done $0x0  }
0x178: {  	[sflag:s17] =	ssyncadd.s32 $0xFFFFFF80  }
0x179: {  	_ =	swait.ge [sflag:s17], $0x80  }
0x17a: {  	[sflag:s17] =	ssyncset.done $0x0  }
0x17b: {  	[sflag:s17] =	ssyncadd.s32 $0xFFFFFF80  }
0x17c: {  	_ =	swait.ge [sflag:s17], $0x80  }
0x17d: {  	[sflag:s17] =	ssyncset.done $0x0  }
0x17e: {  	[sflag:s17] =	ssyncadd.s32 $0xFFFFFF80  }
0x17f: {  	s4 =	simm.s32 $0x0;
	v1 =	vld [tilespmem:$0x2580]  }
0x180: {  	v2 =	vimm.f32 $0.0e+00;
	s1 =	simm.s32 $0x100;
	v3 =	vld [tilespmem:s4+$0x1900]  }
.LBB2_15:
0x181: {  	p1 =	sne.s32 s1, $0x3100  }
.Ltmp6:
0x182: {  	_ = 	snop;
	(pc) =	sbr.rel @p1 .LBB2_15-.Ltmp6, $3  }
0x183: {  	_ =	sdelay $0x1  }
0x184: {  	s4 =	sshra.s32 s1, $0x2;
	s1 =	sadd.s32 $0x100, s1;
	v2 =	vadd.f32 v3, v2  }
0x185: {  	v3 =	vld [tilespmem:s4+$0x1900]  }
0x186: {  	_ =	sdelay $0x3  }
0x187: {  	v1 =	vsub.f32 $0.0e+00, v1;
	v2 =	vadd.f32 v3, v2;
	_ =	sdelay $0x1  }
0x188: {  	v1 =	vmul.f32 v2, v1  }
0x189: {  	s1 =	sshll.u32 s25, $0x6  }
0x18a: {  	[tilespmem:s1+$0x2600] =	vst v1  }
0x18b: {  	s14 =	simm.s32 $0x10;
	v1 =	vld [tilespmem:$0x2590]  }
0x18c: {  	s4 =	simm.s32 $0x140;
	v2 =	vimm.f32 $0.0e+00;
	v3 =	vld [tilespmem:s14+$0x1900]  }
.LBB2_17:
0x18d: {  	p1 =	sne.s32 s4, $0x3140  }
.Ltmp7:
0x18e: {  	_ = 	snop;
	(pc) =	sbr.rel @p1 .LBB2_17-.Ltmp7, $3  }
0x18f: {  	_ =	sdelay $0x1  }
0x190: {  	s14 =	sshra.s32 s4, $0x2;
	s4 =	sadd.s32 $0x100, s4;
	v2 =	vadd.f32 v3, v2  }
0x191: {  	v3 =	vld [tilespmem:s14+$0x1900]  }
0x192: {  	_ =	sdelay $0x3  }
0x193: {  	v1 =	vsub.f32 $0.0e+00, v1;
	v2 =	vadd.f32 v3, v2;
	_ =	sdelay $0x1  }
0x194: {  	v1 =	vmul.f32 v2, v1  }
0x195: {  	s4 =	sor.u32 $0x50, s1  }
0x196: {  	[tilespmem:s4+$0x2600] =	vst v1  }
0x197: {  	s14 =	simm.s32 $0x20;
	v1 =	vld [tilespmem:$0x25A0]  }
0x198: {  	v2 =	vimm.f32 $0.0e+00;
	s4 =	simm.s32 $0x180;
	v3 =	vld [tilespmem:s14+$0x1900]  }
.LBB2_19:
0x199: {  	p1 =	sne.s32 s4, $0x3180  }
.Ltmp8:
0x19a: {  	_ = 	snop;
	(pc) =	sbr.rel @p1 .LBB2_19-.Ltmp8, $3  }
0x19b: {  	_ =	sdelay $0x1  }
0x19c: {  	s14 =	sshra.s32 s4, $0x2;
	s4 =	sadd.s32 $0x100, s4;
	v2 =	vadd.f32 v3, v2  }
0x19d: {  	v3 =	vld [tilespmem:s14+$0x1900]  }
0x19e: {  	_ =	sdelay $0x3  }
0x19f: {  	v1 =	vsub.f32 $0.0e+00, v1;
	v2 =	vadd.f32 v3, v2;
	_ =	sdelay $0x1  }
0x1a0: {  	v1 =	vmul.f32 v2, v1  }
0x1a1: {  	s4 =	sor.u32 $0x60, s1  }
0x1a2: {  	[tilespmem:s4+$0x2600] =	vst v1  }
0x1a3: {  	s14 =	simm.s32 $0x30;
	v1 =	vld [tilespmem:$0x25B0]  }
0x1a4: {  	v2 =	vimm.f32 $0.0e+00;
	s4 =	simm.s32 $0x1C0;
	v3 =	vld [tilespmem:s14+$0x1900]  }
.LBB2_21:
0x1a5: {  	p1 =	sne.s32 s4, $0x31C0  }
.Ltmp9:
0x1a6: {  	_ = 	snop;
	(pc) =	sbr.rel @p1 .LBB2_21-.Ltmp9, $3  }
0x1a7: {  	_ =	sdelay $0x1  }
0x1a8: {  	s14 =	sshra.s32 s4, $0x2;
	s4 =	sadd.s32 $0x100, s4;
	v2 =	vadd.f32 v3, v2  }
0x1a9: {  	v3 =	vld [tilespmem:s14+$0x1900]  }
0x1aa: {  	_ =	sdelay $0x3  }
.Ltmp10:
0x1ab: {  	v1 =	vsub.f32 $0.0e+00, v1;
	v2 =	vadd.f32 v3, v2;
	(pc) =	sbr.rel @p0 .LBB2_4-.Ltmp10, $4  }
0x1ac: {  	_ = 	snop  }
0x1ad: {  	v1 =	vmul.f32 v2, v1  }
0x1ae: {  	s1 =	sor.u32 $0x70, s1  }
0x1af: {  	s4 =	simm.s32 $0x1;
	p2 =	por $0x0, $0x0;
	p1 =	por $0x1, $0x1;
	[tilespmem:s1+$0x2600] =	vst v1  }
0x1b0: {  	s14 =	simm.s32 $0x0;
	s1 =	rddreg [dreg:$0x4];
	s4 =	simm.s32 $0x2600  }
0x1b1: {  	[hbm4b:s1+s14] =	stream.linear.scatter [tilespmem:s4], [sflag:$0x3], $0x100, $0x38;
	[tilespmem:$0x2700] =	vst v63  }
0x1b2: {  	s4 =	simm.s32 $0x3  }
0x1b3: {  	_ =	swait.ge [sflag:s4], $0x100  }
0x1b4: {  	s16 =	rddreg [dreg:$0x6]  }
0x1b5: {  	s25 =	rddreg [dreg:$0x5];
	s16 =	sadd.s32 $0x1, s16  }
0x1b6: {  	p0 =	sne.s32 s16, s25  }
.Ltmp11:
0x1b7: {  	_ = 	snop;
	(pc) =	sbr.rel @p0 .LBB2_1-.Ltmp11, $3  }
0x1b8: {  	_ =	sdelay $0x1  }
0x1b9: {  	[sflag:s4] =	ssyncset.done $0x0  }
0x1ba: {  	[sflag:s4] =	ssyncadd.s32 $0xFFFFFF00;
	[dreg:$0x6] =	wrdreg s16  }
0x1bb: {  	_ =	sfence.sel $0x180000  }
0x1bc: {  	[bflag:$0x0] =	sbarrier.arrive $0xFFFF  }
0x1bd: {  	_ =	strace $0x90000047  }
0x1be: {  	s0 =	stileid.u32;
	[bflag:$0x2] =	sbarrier.arrive $0xFFFF  }
0x1bf: {  	p0 =	sne.s32 s0, $0x0;
	s0 =	rddreg [dreg:$0x3]  }
0x1c0: {  	s0 =	sadd.s32 @!p0 $0x100000, s0  }
0x1c1: {  	[sflag:s0] =	ssyncadd.tile.s32 @!p0 $0x1;
	_ =	shalt  }
.Lfunc_end2:
_tile_overlayer_lowered:
.L_overlay_start_2:
0x1c2: {  	(tag) =	ssettag $0x2  }
0x1c3: {  	s0 =	rddreg [dreg:$0x0];
	s2 =	stileid.u32  }
0x1c4: {  	s1 =	rddreg [dreg:$0x1];
	p0 =	sne.s32 s2, $0x0  }
0x1c5: {  	s3 =	rddreg [dreg:$0x2];
	[bflag:$0x3] =	sbarrier.arrive $0xFFFF;
	s2 =	simm.s32 @!p0 $0x1C03  }
0x1c6: {  	[timem:s3], [sflag:s2] =	dma.local @!p0 [hbm:s0], s1  }
0x1c7: {  	s0 =	simm.s32 @!p0 $0x3  }
0x1c8: {  	_ =	swait.ge @!p0 [sflag:s0], s1  }
0x1c9: {  	s1 =	ssub.s32 @!p0 $0x0, s1;
	[sflag:s0] =	ssyncset.done @!p0 $0x0  }
0x1ca: {  	[sflag:s0] =	ssyncadd.s32 @!p0 s1  }
0x1cb: {  	[bflag:$0x3] =	sbarrier.arrive $0xFFFF  }
0x1cc: {  	_ =	shalt  }

</sc_bundles>
